<compile_context>
chip_gen: v7x
topology: tpu7x:2x2x1
jax: 0.10.2.dev20260603
libtpu: 0.0.44.dev20260713+nightly
codegen_flags: <defaults>
</compile_context>

<pallas_src>
import functools

import jax
import jax.numpy as jnp
from jax import lax
from jax.experimental import pallas as pl
from jax.experimental.pallas import tpu as pltpu
from jax.experimental.pallas import tpu_sc as plsc

B, D, T = 8, 256, 2048
CODE_DIM, K = 64, 1024
TT = 1024
TT2 = 2048


def _prep_body(wout_ref, wconv_ref, bout_ref, bconv_ref, cb_ref,
               m2_ref, cbp_ref, cbn_ref):
    wo = wout_ref[...]
    wc = wconv_ref[...]
    m2 = lax.dot_general(wc, wo, (((1,), (1,)), ((), ())),
                         preferred_element_type=jnp.float32)
    bf = lax.dot_general(bout_ref[...].reshape(1, D), wc,
                         (((1,), (1,)), ((), ())),
                         preferred_element_type=jnp.float32
                         ) + bconv_ref[...].reshape(1, D)
    bf_col = jnp.transpose(bf, (1, 0))
    m2_ref[...] = jnp.concatenate(
        [m2, bf_col, jnp.zeros((D, 127 - CODE_DIM), jnp.float32)], axis=1)
    cb = cb_ref[...]
    cbp_ref[...] = jnp.concatenate(
        [cb, jnp.ones((K, 1), jnp.float32),
         jnp.zeros((K, 127 - CODE_DIM), jnp.float32)], axis=1)
    cn = jnp.sqrt(jnp.sum(cb * cb, axis=1, keepdims=True))
    cbn_ref[...] = cb / jnp.maximum(cn, 1e-12)


def _argmax_body(h_ref, win_ref, bin_ref, cbn_ref, idx_ref):
    xb = h_ref[0]
    w = win_ref[...]
    cbn = cbn_ref[...]
    ec = lax.dot_general(xb, w, (((0,), (0,)), ((), ())),
                         preferred_element_type=jnp.float32)
    ec = ec + bin_ref[...].reshape(1, CODE_DIM)
    n = jnp.sqrt(jnp.sum(ec * ec, axis=1, keepdims=True))
    en = ec / jnp.maximum(n, 1e-8)
    logits = lax.dot_general(en, cbn, (((1,), (1,)), ((), ())),
                             preferred_element_type=jnp.float32)
    m = jnp.max(logits, axis=1, keepdims=True)
    unn = jnp.exp(logits - m)
    s = jnp.sum(unn, axis=1, keepdims=True)
    probs = unn / s
    idx = jnp.argmax(probs, axis=1).astype(jnp.int32)
    idx_ref[...] = idx.reshape(1, 1, TT)


def _out_body(c1_ref, m2_ref, out_ref):
    c1 = c1_ref[0]
    m2 = m2_ref[...]
    out_ref[0] = lax.dot_general(m2, c1, (((1,), (1,)), ((), ())),
                                 preferred_element_type=jnp.float32)


def _out_body_acc(c1_ref, m2_ref, prev_ref, out_ref):
    del prev_ref
    c1 = c1_ref[0]
    m2 = m2_ref[...]
    out_ref[0] = lax.dot_general(m2, c1, (((1,), (1,)), ((), ())),
                                 preferred_element_type=jnp.float32)


def _make_sc_gather(n_idx, d):
    info = plsc.get_sparse_core_info()
    nc, ns = info.num_cores, info.num_subcores
    nw = nc * ns
    per_w = n_idx // nw
    chunk = 128
    n_chunks = per_w // chunk
    mesh = plsc.VectorSubcoreMesh(core_axis_name="c", subcore_axis_name="s")

    @functools.partial(
        pl.kernel, mesh=mesh,
        out_type=jax.ShapeDtypeStruct((n_idx, d), jnp.float32),
        scratch_types=[
            pltpu.VMEM((n_chunks, chunk), jnp.int32),
            pltpu.VMEM((per_w, d), jnp.float32),
            pltpu.SemaphoreType.DMA,
        ],
    )
    def gather_k(idx_hbm, table_hbm, out_hbm, idx_v, rows_v, sem):
        wid = lax.axis_index("s") * nc + lax.axis_index("c")
        pltpu.sync_copy(idx_hbm.at[wid], idx_v)
        handles = [
            pltpu.async_copy(table_hbm.at[idx_v.at[j]],
                             rows_v.at[pl.ds(j * chunk, chunk)], sem)
            for j in range(n_chunks)
        ]
        for h in handles:
            h.wait()
        pltpu.sync_copy(rows_v, out_hbm.at[pl.ds(wid * per_w, per_w)])

    def run(idx_flat, table):
        nonlocal nw, n_chunks
        idx3 = idx_flat.reshape(nw, n_chunks, chunk)
        return gather_k(idx3, table)

    return run


def kernel(h_input, W_in, b_in, W_out, b_out, codebook, W_conv, b_conv):
    m2, cb_pad, cbn = pl.pallas_call(
        _prep_body,
        out_shape=[
            jax.ShapeDtypeStruct((D, 128), jnp.float32),
            jax.ShapeDtypeStruct((K, 128), jnp.float32),
            jax.ShapeDtypeStruct((K, CODE_DIM), jnp.float32),
        ],
    )(W_out, W_conv, b_out, b_conv, codebook)

    NQ = 2
    bq = B // NQ

    def _argmax_part(off):
        return pl.pallas_call(
            _argmax_body,
            grid=(bq, T // TT),
            in_specs=[
                pl.BlockSpec((1, D, TT), lambda b, t: (b + off, 0, t)),
                pl.BlockSpec((D, CODE_DIM), lambda b, t: (0, 0)),
                pl.BlockSpec((CODE_DIM,), lambda b, t: (0,)),
                pl.BlockSpec((K, CODE_DIM), lambda b, t: (0, 0)),
            ],
            out_specs=pl.BlockSpec((1, 1, TT), lambda b, t: (b, 0, t)),
            out_shape=jax.ShapeDtypeStruct((bq, 1, T), jnp.int32),
            compiler_params=pltpu.CompilerParams(
                dimension_semantics=("parallel", "parallel")),
        )(h_input, W_in, b_in, cbn)

    idxs = [_argmax_part(q * bq) for q in range(NQ)]

    gather = _make_sc_gather(bq * T, 128)
    c1s = [gather(ix.reshape(bq * T), cb_pad) for ix in idxs]

    out = None
    for q in reversed(range(NQ)):
        c1q = c1s[q].reshape(bq, T, 128)
        if out is None:
            out = pl.pallas_call(
                _out_body,
                grid=(bq, T // TT2),
                in_specs=[
                    pl.BlockSpec((1, TT2, 128), lambda b, t: (b, t, 0)),
                    pl.BlockSpec((D, 128), lambda b, t: (0, 0)),
                ],
                out_specs=pl.BlockSpec(
                    (1, D, TT2), lambda b, t, off=q * bq: (b + off, 0, t)),
                out_shape=jax.ShapeDtypeStruct((B, D, T), jnp.float32),
            )(c1q, m2)
        else:
            out = pl.pallas_call(
                _out_body_acc,
                grid=(bq, T // TT2),
                in_specs=[
                    pl.BlockSpec((1, TT2, 128), lambda b, t: (b, t, 0)),
                    pl.BlockSpec((D, 128), lambda b, t: (0, 0)),
                    pl.BlockSpec(memory_space=pl.ANY),
                ],
                out_specs=pl.BlockSpec(
                    (1, D, TT2), lambda b, t, off=q * bq: (b + off, 0, t)),
                out_shape=jax.ShapeDtypeStruct((B, D, T), jnp.float32),
                input_output_aliases={2: 0},
            )(c1q, m2, out)
    return out

# --- scband reference (transcript-rebuilt; emitter-appended) ---
"""Pipeline reference for scband-acmodel-84808424227462 (READ-ONLY COPY).

The authoritative reference and input builder live on the scoring server;
editing this copy changes nothing except your own understanding.
"""

import jax, jax.numpy as jnp
import numpy as np

B, D, T = 8, 256, 2048
CODE_DIM, K = 64, 1024

def _normalize(x, axis, eps):
    n = jnp.linalg.norm(x, axis=axis, keepdims=True)
    return x / jnp.maximum(n, eps)

def setup_inputs(seed: int = 0) -> dict:
    key = jax.random.key(seed)
    ks = jax.random.split(key, 8)
    return {
        "h_input": jax.random.normal(ks[0], (B, D, T), dtype=jnp.float32),
        "W_in": jax.random.normal(ks[1], (D, CODE_DIM), dtype=jnp.float32) * 0.05,
        "b_in": jnp.zeros((CODE_DIM,), dtype=jnp.float32),
        "W_out": jax.random.normal(ks[2], (CODE_DIM, D), dtype=jnp.float32) * 0.05,
        "b_out": jnp.zeros((D,), dtype=jnp.float32),
        "codebook": jax.random.normal(ks[3], (K, CODE_DIM), dtype=jnp.float32),
        "W_conv": jax.random.normal(ks[4], (D, D), dtype=jnp.float32) * 0.05,
        "b_conv": jnp.zeros((D,), dtype=jnp.float32),
    }

def reference(h_input, W_in, b_in, W_out, b_out, codebook, W_conv, b_conv):
    # codebook1_norm = F.normalize(codebook.weight)  (dim=1, eps=1e-12)
    cb_norm = _normalize(codebook, 1, 1e-12)
    # downsample: rearrange b d t -> b t d, then in_proj
    x = jnp.transpose(h_input, (0, 2, 1))
    e_c = x @ W_in + b_in
    # F.normalize(e_c, dim=-1, eps=1e-8)
    e_c = _normalize(e_c, -1, 1e-8)
    # quantize (straight-through argmax over cosine logits)
    logits = e_c @ cb_norm.T
    probs = jax.nn.softmax(logits / 1.0, axis=-1)
    idx = jnp.argmax(probs, axis=-1)
    one_hot = jax.nn.one_hot(idx, codebook.shape[0], dtype=probs.dtype)
    final_probs = jax.lax.stop_gradient(one_hot - probs) + probs
    c1_emb = final_probs @ codebook
    # upsample: out_proj then rearrange b t d -> b d t
    z = c1_emb @ W_out + b_out
    z_c1 = jnp.transpose(z, (0, 2, 1))
    # torch.no_grad() around get_z_c1_from_h in d_model==256 path
    z_c1 = jax.lax.stop_gradient(z_c1)
    # conversion_submodule: shape-preserving pointwise conv over channel dim
    out = jnp.einsum('ed,bdt->bet', W_conv, z_c1) + b_conv[None, :, None]
    return out

if __name__ == "__main__":
    import jax
    _d = setup_inputs()
    print(jax.jit(kernel)(*tuple(_d.values())))

</pallas_src>

<mosaic_0001>
#map = affine_map<(d0, d1) -> (0, 0, 0)>
#map1 = affine_map<(d0, d1) -> (0, 0)>
module attributes {stable_mosaic.version = 14 : i64} {
  func.func @gather_k(%arg0: i32, %arg1: i32, %arg2: memref<32x2x128xi32, #tpu.memory_space<hbm>>, %arg3: memref<1024x128xf32, #tpu.memory_space<hbm>>, %arg4: memref<8192x128xf32, #tpu.memory_space<hbm>>, %arg5: memref<2x128xi32, #tpu.memory_space<vmem>>, %arg6: memref<256x128xf32, #tpu.memory_space<vmem>>, %arg7: memref<!tpu.dma_semaphore, #tpu.memory_space<semaphore_mem>>) attributes {dimension_semantics = [#tpu.dimension_semantics<core_parallel>, #tpu.dimension_semantics<subcore_parallel>], iteration_bounds = array<i64: 2, 16>, scalar_prefetch = 0 : i64, scratch_operands = 3 : i64, tpu.core_type = #tpu.core_type<sc_vector_subcore>, window_params = [{transform_indices = #map}, {transform_indices = #map1}, {transform_indices = #map1}]} {
    %mul3A = arith.constant 2 : i32
    %mul3A_0 = arith.muli %arg1, %mul3A : i32
    %add3A = arith.addi %mul3A_0, %arg0 : i32
    "tpu.region"() ({
      %run_scoped3A = tpu.sem_alloc : memref<!tpu.dma_semaphore, #tpu.memory_space<semaphore_mem>>
      %dma_start3A_41 = arith.constant 0 : i32
      %dma_start3A_42 = arith.constant 0 : i32
      %dma_start3A_43 = tpu.memref_slice %arg2[%add3A, %dma_start3A_41, %dma_start3A_42] : memref<32x2x128xi32, #tpu.memory_space<hbm>> -> memref<1x2x128xi32, #tpu.memory_space<hbm>>
      %dma_start3A_44 = tpu.memref_squeeze %dma_start3A_43 : memref<1x2x128xi32, #tpu.memory_space<hbm>> -> memref<2x128xi32, #tpu.memory_space<hbm>>
      %dma_start3A_45 = arith.constant 0 : i32
      %dma_start3A_46 = arith.constant 0 : i32
      %dma_start3A_47 = tpu.memref_slice %arg2[%add3A, %dma_start3A_45, %dma_start3A_46] : memref<32x2x128xi32, #tpu.memory_space<hbm>> -> memref<1x2x128xi32, #tpu.memory_space<hbm>>
      %dma_start3A_48 = tpu.memref_squeeze %dma_start3A_47 : memref<1x2x128xi32, #tpu.memory_space<hbm>> -> memref<2x128xi32, #tpu.memory_space<hbm>>
      tpu.enqueue_dma source(%dma_start3A_48 : memref<2x128xi32, #tpu.memory_space<hbm>>) target(%arg5 : memref<2x128xi32, #tpu.memory_space<vmem>>) target_semaphore(%run_scoped3A : memref<!tpu.dma_semaphore, #tpu.memory_space<semaphore_mem>>)
      %dma_wait3A_49 = arith.constant 0 : i32
      %dma_wait3A_50 = arith.constant 0 : i32
      %dma_wait3A_51 = tpu.memref_slice %arg2[%add3A, %dma_wait3A_49, %dma_wait3A_50] : memref<32x2x128xi32, #tpu.memory_space<hbm>> -> memref<1x2x128xi32, #tpu.memory_space<hbm>>
      %dma_wait3A_52 = tpu.memref_squeeze %dma_wait3A_51 : memref<1x2x128xi32, #tpu.memory_space<hbm>> -> memref<2x128xi32, #tpu.memory_space<hbm>>
      %dma_wait3A_53 = arith.constant 0 : i32
      %dma_wait3A_54 = arith.constant 0 : i32
      %dma_wait3A_55 = tpu.memref_slice %arg2[%add3A, %dma_wait3A_53, %dma_wait3A_54] : memref<32x2x128xi32, #tpu.memory_space<hbm>> -> memref<1x2x128xi32, #tpu.memory_space<hbm>>
      %dma_wait3A_56 = tpu.memref_squeeze %dma_wait3A_55 : memref<1x2x128xi32, #tpu.memory_space<hbm>> -> memref<2x128xi32, #tpu.memory_space<hbm>>
      tpu.wait_dma2 semaphore(%run_scoped3A : memref<!tpu.dma_semaphore, #tpu.memory_space<semaphore_mem>>) src(%dma_wait3A_56 : memref<2x128xi32, #tpu.memory_space<hbm>>) dst(%arg5 : memref<2x128xi32, #tpu.memory_space<vmem>>)
      tpu.yield
    }) : () -> ()
    %dma_start3A = arith.constant 0 : i32
    %dma_start3A_1 = arith.constant 0 : i32
    %dma_start3A_2 = arith.constant 0 : i32
    %dma_start3A_3 = tpu.memref_slice %arg6[%dma_start3A_1, %dma_start3A_2] : memref<256x128xf32, #tpu.memory_space<vmem>> -> memref<128x128xf32, #tpu.memory_space<vmem>>
    %dma_start3A_4 = arith.constant 0 : i32
    %dma_start3A_5 = tpu.memref_slice %arg5[%dma_start3A, %dma_start3A_4] : memref<2x128xi32, #tpu.memory_space<vmem>> -> memref<1x128xi32, #tpu.memory_space<vmem>>
    %dma_start3A_6 = tpu.memref_squeeze %dma_start3A_5 : memref<1x128xi32, #tpu.memory_space<vmem>> -> memref<128xi32, #tpu.memory_space<vmem>>
    %dma_start3A_7 = arith.constant 0 : i32
    %dma_start3A_8 = arith.constant 0 : i32
    %dma_start3A_9 = tpu.memref_slice %arg3[%dma_start3A_7, %dma_start3A_8] : memref<1024x128xf32, #tpu.memory_space<hbm>> -> memref<1024x128xf32, #tpu.memory_space<hbm>>
    tpu.enqueue_indirect_dma source(%dma_start3A_9 : memref<1024x128xf32, #tpu.memory_space<hbm>>) target(%dma_start3A_3 : memref<128x128xf32, #tpu.memory_space<vmem>>) offsets(%dma_start3A_6 : memref<128xi32, #tpu.memory_space<vmem>>) semaphore(%arg7 : memref<!tpu.dma_semaphore, #tpu.memory_space<semaphore_mem>>)
    %dma_start3A_10 = arith.constant 1 : i32
    %dma_start3A_11 = arith.constant 128 : i32
    %dma_start3A_12 = arith.constant 0 : i32
    %dma_start3A_13 = tpu.memref_slice %arg6[%dma_start3A_11, %dma_start3A_12] : memref<256x128xf32, #tpu.memory_space<vmem>> -> memref<128x128xf32, #tpu.memory_space<vmem>>
    %dma_start3A_14 = arith.constant 0 : i32
    %dma_start3A_15 = tpu.memref_slice %arg5[%dma_start3A_10, %dma_start3A_14] : memref<2x128xi32, #tpu.memory_space<vmem>> -> memref<1x128xi32, #tpu.memory_space<vmem>>
    %dma_start3A_16 = tpu.memref_squeeze %dma_start3A_15 : memref<1x128xi32, #tpu.memory_space<vmem>> -> memref<128xi32, #tpu.memory_space<vmem>>
    %dma_start3A_17 = arith.constant 0 : i32
    %dma_start3A_18 = arith.constant 0 : i32
    %dma_start3A_19 = tpu.memref_slice %arg3[%dma_start3A_17, %dma_start3A_18] : memref<1024x128xf32, #tpu.memory_space<hbm>> -> memref<1024x128xf32, #tpu.memory_space<hbm>>
    tpu.enqueue_indirect_dma source(%dma_start3A_19 : memref<1024x128xf32, #tpu.memory_space<hbm>>) target(%dma_start3A_13 : memref<128x128xf32, #tpu.memory_space<vmem>>) offsets(%dma_start3A_16 : memref<128xi32, #tpu.memory_space<vmem>>) semaphore(%arg7 : memref<!tpu.dma_semaphore, #tpu.memory_space<semaphore_mem>>)
    %dma_wait3A = arith.constant 0 : i32
    %dma_wait3A_20 = arith.constant 0 : i32
    %dma_wait3A_21 = arith.constant 0 : i32
    %dma_wait3A_22 = tpu.memref_slice %arg6[%dma_wait3A_20, %dma_wait3A_21] : memref<256x128xf32, #tpu.memory_space<vmem>> -> memref<128x128xf32, #tpu.memory_space<vmem>>
    %dma_wait3A_23 = arith.constant 0 : i32
    %dma_wait3A_24 = tpu.memref_slice %arg5[%dma_wait3A, %dma_wait3A_23] : memref<2x128xi32, #tpu.memory_space<vmem>> -> memref<1x128xi32, #tpu.memory_space<vmem>>
    %dma_wait3A_25 = tpu.memref_squeeze %dma_wait3A_24 : memref<1x128xi32, #tpu.memory_space<vmem>> -> memref<128xi32, #tpu.memory_space<vmem>>
    %dma_wait3A_26 = arith.constant 0 : i32
    %dma_wait3A_27 = arith.constant 0 : i32
    %dma_wait3A_28 = tpu.memref_slice %arg3[%dma_wait3A_26, %dma_wait3A_27] : memref<1024x128xf32, #tpu.memory_space<hbm>> -> memref<1024x128xf32, #tpu.memory_space<hbm>>
    tpu.wait_indirect_dma semaphore(%arg7 : memref<!tpu.dma_semaphore, #tpu.memory_space<semaphore_mem>>) src(%dma_wait3A_28 : memref<1024x128xf32, #tpu.memory_space<hbm>>) dst(%dma_wait3A_22 : memref<128x128xf32, #tpu.memory_space<vmem>>)
    %dma_wait3A_29 = arith.constant 1 : i32
    %dma_wait3A_30 = arith.constant 128 : i32
    %dma_wait3A_31 = arith.constant 0 : i32
    %dma_wait3A_32 = tpu.memref_slice %arg6[%dma_wait3A_30, %dma_wait3A_31] : memref<256x128xf32, #tpu.memory_space<vmem>> -> memref<128x128xf32, #tpu.memory_space<vmem>>
    %dma_wait3A_33 = arith.constant 0 : i32
    %dma_wait3A_34 = tpu.memref_slice %arg5[%dma_wait3A_29, %dma_wait3A_33] : memref<2x128xi32, #tpu.memory_space<vmem>> -> memref<1x128xi32, #tpu.memory_space<vmem>>
    %dma_wait3A_35 = tpu.memref_squeeze %dma_wait3A_34 : memref<1x128xi32, #tpu.memory_space<vmem>> -> memref<128xi32, #tpu.memory_space<vmem>>
    %dma_wait3A_36 = arith.constant 0 : i32
    %dma_wait3A_37 = arith.constant 0 : i32
    %dma_wait3A_38 = tpu.memref_slice %arg3[%dma_wait3A_36, %dma_wait3A_37] : memref<1024x128xf32, #tpu.memory_space<hbm>> -> memref<1024x128xf32, #tpu.memory_space<hbm>>
    tpu.wait_indirect_dma semaphore(%arg7 : memref<!tpu.dma_semaphore, #tpu.memory_space<semaphore_mem>>) src(%dma_wait3A_38 : memref<1024x128xf32, #tpu.memory_space<hbm>>) dst(%dma_wait3A_32 : memref<128x128xf32, #tpu.memory_space<vmem>>)
    %mul3A_39 = arith.constant 256 : i32
    %mul3A_40 = arith.muli %add3A, %mul3A_39 : i32
    "tpu.region"() ({
      %run_scoped3A = tpu.sem_alloc : memref<!tpu.dma_semaphore, #tpu.memory_space<semaphore_mem>>
      %dma_start3A_41 = arith.constant 0 : i32
      %dma_start3A_42 = tpu.memref_slice %arg4[%mul3A_40, %dma_start3A_41] : memref<8192x128xf32, #tpu.memory_space<hbm>> -> memref<256x128xf32, #tpu.memory_space<hbm>>
      %dma_start3A_43 = arith.constant 0 : i32
      %dma_start3A_44 = tpu.memref_slice %arg4[%mul3A_40, %dma_start3A_43] : memref<8192x128xf32, #tpu.memory_space<hbm>> -> memref<256x128xf32, #tpu.memory_space<hbm>>
      tpu.enqueue_dma source(%arg6 : memref<256x128xf32, #tpu.memory_space<vmem>>) target(%dma_start3A_44 : memref<256x128xf32, #tpu.memory_space<hbm>>) target_semaphore(%run_scoped3A : memref<!tpu.dma_semaphore, #tpu.memory_space<semaphore_mem>>)
      %dma_wait3A_45 = arith.constant 0 : i32
      %dma_wait3A_46 = tpu.memref_slice %arg4[%mul3A_40, %dma_wait3A_45] : memref<8192x128xf32, #tpu.memory_space<hbm>> -> memref<256x128xf32, #tpu.memory_space<hbm>>
      %dma_wait3A_47 = arith.constant 0 : i32
      %dma_wait3A_48 = tpu.memref_slice %arg4[%mul3A_40, %dma_wait3A_47] : memref<8192x128xf32, #tpu.memory_space<hbm>> -> memref<256x128xf32, #tpu.memory_space<hbm>>
      tpu.wait_dma2 semaphore(%run_scoped3A : memref<!tpu.dma_semaphore, #tpu.memory_space<semaphore_mem>>) src(%arg6 : memref<256x128xf32, #tpu.memory_space<vmem>>) dst(%dma_wait3A_48 : memref<256x128xf32, #tpu.memory_space<hbm>>)
      tpu.yield
    }) : () -> ()
    return
  }
}

#map = affine_map<(d0, d1) -> (0, 0, 0)>
#map1 = affine_map<(d0, d1) -> (0, 0)>
module attributes {stable_mosaic.version = 14 : i64} {
  func.func @gather_k(%arg0: i32, %arg1: i32, %arg2: memref<32x2x128xi32, #tpu.memory_space<hbm>>, %arg3: memref<1024x128xf32, #tpu.memory_space<hbm>>, %arg4: memref<8192x128xf32, #tpu.memory_space<hbm>>, %arg5: memref<2x128xi32, #tpu.memory_space<vmem>>, %arg6: memref<256x128xf32, #tpu.memory_space<vmem>>, %arg7: memref<!tpu.dma_semaphore, #tpu.memory_space<semaphore_mem>>) attributes {dimension_semantics = [#tpu.dimension_semantics<core_parallel>, #tpu.dimension_semantics<subcore_parallel>], iteration_bounds = array<i64: 2, 16>, scalar_prefetch = 0 : i64, scratch_operands = 3 : i64, tpu.core_type = #tpu.core_type<sc_vector_subcore>, window_params = [{transform_indices = #map}, {transform_indices = #map1}, {transform_indices = #map1}]} {
    %mul3A = arith.constant 2 : i32
    %mul3A_0 = arith.muli %arg1, %mul3A : i32
    %add3A = arith.addi %mul3A_0, %arg0 : i32
    "tpu.region"() ({
      %run_scoped3A = tpu.sem_alloc : memref<!tpu.dma_semaphore, #tpu.memory_space<semaphore_mem>>
      %dma_start3A_41 = arith.constant 0 : i32
      %dma_start3A_42 = arith.constant 0 : i32
      %dma_start3A_43 = tpu.memref_slice %arg2[%add3A, %dma_start3A_41, %dma_start3A_42] : memref<32x2x128xi32, #tpu.memory_space<hbm>> -> memref<1x2x128xi32, #tpu.memory_space<hbm>>
      %dma_start3A_44 = tpu.memref_squeeze %dma_start3A_43 : memref<1x2x128xi32, #tpu.memory_space<hbm>> -> memref<2x128xi32, #tpu.memory_space<hbm>>
      %dma_start3A_45 = arith.constant 0 : i32
      %dma_start3A_46 = arith.constant 0 : i32
      %dma_start3A_47 = tpu.memref_slice %arg2[%add3A, %dma_start3A_45, %dma_start3A_46] : memref<32x2x128xi32, #tpu.memory_space<hbm>> -> memref<1x2x128xi32, #tpu.memory_space<hbm>>
      %dma_start3A_48 = tpu.memref_squeeze %dma_start3A_47 : memref<1x2x128xi32, #tpu.memory_space<hbm>> -> memref<2x128xi32, #tpu.memory_space<hbm>>
      tpu.enqueue_dma source(%dma_start3A_48 : memref<2x128xi32, #tpu.memory_space<hbm>>) target(%arg5 : memref<2x128xi32, #tpu.memory_space<vmem>>) target_semaphore(%run_scoped3A : memref<!tpu.dma_semaphore, #tpu.memory_space<semaphore_mem>>)
      %dma_wait3A_49 = arith.constant 0 : i32
      %dma_wait3A_50 = arith.constant 0 : i32
      %dma_wait3A_51 = tpu.memref_slice %arg2[%add3A, %dma_wait3A_49, %dma_wait3A_50] : memref<32x2x128xi32, #tpu.memory_space<hbm>> -> memref<1x2x128xi32, #tpu.memory_space<hbm>>
      %dma_wait3A_52 = tpu.memref_squeeze %dma_wait3A_51 : memref<1x2x128xi32, #tpu.memory_space<hbm>> -> memref<2x128xi32, #tpu.memory_space<hbm>>
      %dma_wait3A_53 = arith.constant 0 : i32
      %dma_wait3A_54 = arith.constant 0 : i32
      %dma_wait3A_55 = tpu.memref_slice %arg2[%add3A, %dma_wait3A_53, %dma_wait3A_54] : memref<32x2x128xi32, #tpu.memory_space<hbm>> -> memref<1x2x128xi32, #tpu.memory_space<hbm>>
      %dma_wait3A_56 = tpu.memref_squeeze %dma_wait3A_55 : memref<1x2x128xi32, #tpu.memory_space<hbm>> -> memref<2x128xi32, #tpu.memory_space<hbm>>
      tpu.wait_dma2 semaphore(%run_scoped3A : memref<!tpu.dma_semaphore, #tpu.memory_space<semaphore_mem>>) src(%dma_wait3A_56 : memref<2x128xi32, #tpu.memory_space<hbm>>) dst(%arg5 : memref<2x128xi32, #tpu.memory_space<vmem>>)
      tpu.yield
    }) : () -> ()
    %dma_start3A = arith.constant 0 : i32
    %dma_start3A_1 = arith.constant 0 : i32
    %dma_start3A_2 = arith.constant 0 : i32
    %dma_start3A_3 = tpu.memref_slice %arg6[%dma_start3A_1, %dma_start3A_2] : memref<256x128xf32, #tpu.memory_space<vmem>> -> memref<128x128xf32, #tpu.memory_space<vmem>>
    %dma_start3A_4 = arith.constant 0 : i32
    %dma_start3A_5 = tpu.memref_slice %arg5[%dma_start3A, %dma_start3A_4] : memref<2x128xi32, #tpu.memory_space<vmem>> -> memref<1x128xi32, #tpu.memory_space<vmem>>
    %dma_start3A_6 = tpu.memref_squeeze %dma_start3A_5 : memref<1x128xi32, #tpu.memory_space<vmem>> -> memref<128xi32, #tpu.memory_space<vmem>>
    %dma_start3A_7 = arith.constant 0 : i32
    %dma_start3A_8 = arith.constant 0 : i32
    %dma_start3A_9 = tpu.memref_slice %arg3[%dma_start3A_7, %dma_start3A_8] : memref<1024x128xf32, #tpu.memory_space<hbm>> -> memref<1024x128xf32, #tpu.memory_space<hbm>>
    tpu.enqueue_indirect_dma source(%dma_start3A_9 : memref<1024x128xf32, #tpu.memory_space<hbm>>) target(%dma_start3A_3 : memref<128x128xf32, #tpu.memory_space<vmem>>) offsets(%dma_start3A_6 : memref<128xi32, #tpu.memory_space<vmem>>) semaphore(%arg7 : memref<!tpu.dma_semaphore, #tpu.memory_space<semaphore_mem>>)
    %dma_start3A_10 = arith.constant 1 : i32
    %dma_start3A_11 = arith.constant 128 : i32
    %dma_start3A_12 = arith.constant 0 : i32
    %dma_start3A_13 = tpu.memref_slice %arg6[%dma_start3A_11, %dma_start3A_12] : memref<256x128xf32, #tpu.memory_space<vmem>> -> memref<128x128xf32, #tpu.memory_space<vmem>>
    %dma_start3A_14 = arith.constant 0 : i32
    %dma_start3A_15 = tpu.memref_slice %arg5[%dma_start3A_10, %dma_start3A_14] : memref<2x128xi32, #tpu.memory_space<vmem>> -> memref<1x128xi32, #tpu.memory_space<vmem>>
    %dma_start3A_16 = tpu.memref_squeeze %dma_start3A_15 : memref<1x128xi32, #tpu.memory_space<vmem>> -> memref<128xi32, #tpu.memory_space<vmem>>
    %dma_start3A_17 = arith.constant 0 : i32
    %dma_start3A_18 = arith.constant 0 : i32
    %dma_start3A_19 = tpu.memref_slice %arg3[%dma_start3A_17, %dma_start3A_18] : memref<1024x128xf32, #tpu.memory_space<hbm>> -> memref<1024x128xf32, #tpu.memory_space<hbm>>
    tpu.enqueue_indirect_dma source(%dma_start3A_19 : memref<1024x128xf32, #tpu.memory_space<hbm>>) target(%dma_start3A_13 : memref<128x128xf32, #tpu.memory_space<vmem>>) offsets(%dma_start3A_16 : memref<128xi32, #tpu.memory_space<vmem>>) semaphore(%arg7 : memref<!tpu.dma_semaphore, #tpu.memory_space<semaphore_mem>>)
    %dma_wait3A = arith.constant 0 : i32
    %dma_wait3A_20 = arith.constant 0 : i32
    %dma_wait3A_21 = arith.constant 0 : i32
    %dma_wait3A_22 = tpu.memref_slice %arg6[%dma_wait3A_20, %dma_wait3A_21] : memref<256x128xf32, #tpu.memory_space<vmem>> -> memref<128x128xf32, #tpu.memory_space<vmem>>
    %dma_wait3A_23 = arith.constant 0 : i32
    %dma_wait3A_24 = tpu.memref_slice %arg5[%dma_wait3A, %dma_wait3A_23] : memref<2x128xi32, #tpu.memory_space<vmem>> -> memref<1x128xi32, #tpu.memory_space<vmem>>
    %dma_wait3A_25 = tpu.memref_squeeze %dma_wait3A_24 : memref<1x128xi32, #tpu.memory_space<vmem>> -> memref<128xi32, #tpu.memory_space<vmem>>
    %dma_wait3A_26 = arith.constant 0 : i32
    %dma_wait3A_27 = arith.constant 0 : i32
    %dma_wait3A_28 = tpu.memref_slice %arg3[%dma_wait3A_26, %dma_wait3A_27] : memref<1024x128xf32, #tpu.memory_space<hbm>> -> memref<1024x128xf32, #tpu.memory_space<hbm>>
    tpu.wait_indirect_dma semaphore(%arg7 : memref<!tpu.dma_semaphore, #tpu.memory_space<semaphore_mem>>) src(%dma_wait3A_28 : memref<1024x128xf32, #tpu.memory_space<hbm>>) dst(%dma_wait3A_22 : memref<128x128xf32, #tpu.memory_space<vmem>>)
    %dma_wait3A_29 = arith.constant 1 : i32
    %dma_wait3A_30 = arith.constant 128 : i32
    %dma_wait3A_31 = arith.constant 0 : i32
    %dma_wait3A_32 = tpu.memref_slice %arg6[%dma_wait3A_30, %dma_wait3A_31] : memref<256x128xf32, #tpu.memory_space<vmem>> -> memref<128x128xf32, #tpu.memory_space<vmem>>
    %dma_wait3A_33 = arith.constant 0 : i32
    %dma_wait3A_34 = tpu.memref_slice %arg5[%dma_wait3A_29, %dma_wait3A_33] : memref<2x128xi32, #tpu.memory_space<vmem>> -> memref<1x128xi32, #tpu.memory_space<vmem>>
    %dma_wait3A_35 = tpu.memref_squeeze %dma_wait3A_34 : memref<1x128xi32, #tpu.memory_space<vmem>> -> memref<128xi32, #tpu.memory_space<vmem>>
    %dma_wait3A_36 = arith.constant 0 : i32
    %dma_wait3A_37 = arith.constant 0 : i32
    %dma_wait3A_38 = tpu.memref_slice %arg3[%dma_wait3A_36, %dma_wait3A_37] : memref<1024x128xf32, #tpu.memory_space<hbm>> -> memref<1024x128xf32, #tpu.memory_space<hbm>>
    tpu.wait_indirect_dma semaphore(%arg7 : memref<!tpu.dma_semaphore, #tpu.memory_space<semaphore_mem>>) src(%dma_wait3A_38 : memref<1024x128xf32, #tpu.memory_space<hbm>>) dst(%dma_wait3A_32 : memref<128x128xf32, #tpu.memory_space<vmem>>)
    %mul3A_39 = arith.constant 256 : i32
    %mul3A_40 = arith.muli %add3A, %mul3A_39 : i32
    "tpu.region"() ({
      %run_scoped3A = tpu.sem_alloc : memref<!tpu.dma_semaphore, #tpu.memory_space<semaphore_mem>>
      %dma_start3A_41 = arith.constant 0 : i32
      %dma_start3A_42 = tpu.memref_slice %arg4[%mul3A_40, %dma_start3A_41] : memref<8192x128xf32, #tpu.memory_space<hbm>> -> memref<256x128xf32, #tpu.memory_space<hbm>>
      %dma_start3A_43 = arith.constant 0 : i32
      %dma_start3A_44 = tpu.memref_slice %arg4[%mul3A_40, %dma_start3A_43] : memref<8192x128xf32, #tpu.memory_space<hbm>> -> memref<256x128xf32, #tpu.memory_space<hbm>>
      tpu.enqueue_dma source(%arg6 : memref<256x128xf32, #tpu.memory_space<vmem>>) target(%dma_start3A_44 : memref<256x128xf32, #tpu.memory_space<hbm>>) target_semaphore(%run_scoped3A : memref<!tpu.dma_semaphore, #tpu.memory_space<semaphore_mem>>)
      %dma_wait3A_45 = arith.constant 0 : i32
      %dma_wait3A_46 = tpu.memref_slice %arg4[%mul3A_40, %dma_wait3A_45] : memref<8192x128xf32, #tpu.memory_space<hbm>> -> memref<256x128xf32, #tpu.memory_space<hbm>>
      %dma_wait3A_47 = arith.constant 0 : i32
      %dma_wait3A_48 = tpu.memref_slice %arg4[%mul3A_40, %dma_wait3A_47] : memref<8192x128xf32, #tpu.memory_space<hbm>> -> memref<256x128xf32, #tpu.memory_space<hbm>>
      tpu.wait_dma2 semaphore(%run_scoped3A : memref<!tpu.dma_semaphore, #tpu.memory_space<semaphore_mem>>) src(%arg6 : memref<256x128xf32, #tpu.memory_space<vmem>>) dst(%dma_wait3A_48 : memref<256x128xf32, #tpu.memory_space<hbm>>)
      tpu.yield
    }) : () -> ()
    return
  }
}

module attributes {stable_mosaic.version = 14 : i64} {
  func.func @_argmax_body(%arg0: i32, %arg1: i32, %arg2: memref<1x256x1024xf32, #tpu.memory_space<vmem>>, %arg3: memref<256x64xf32, #tpu.memory_space<vmem>>, %arg4: memref<64xf32, #tpu.memory_space<vmem>>, %arg5: memref<1024x64xf32, #tpu.memory_space<vmem>>, %arg6: memref<1x1x1024xi32, #tpu.memory_space<vmem>>) attributes {dimension_semantics = [#tpu.dimension_semantics<parallel>, #tpu.dimension_semantics<parallel>], iteration_bounds = array<i64: 4, 2>, scalar_prefetch = 0 : i64, scratch_operands = 0 : i64, tpu.core_type = #tpu.core_type<tc>, window_params = [{transform_indices = @transform_0, window_bounds = array<i64: 1, 256, 1024>}, {pipeline_mode = #tpu.pipeline_mode<synchronous>, transform_indices = @transform_1, window_bounds = array<i64: 256, 64>}, {pipeline_mode = #tpu.pipeline_mode<synchronous>, transform_indices = @transform_2, window_bounds = array<i64: 64>}, {pipeline_mode = #tpu.pipeline_mode<synchronous>, transform_indices = @transform_3, window_bounds = array<i64: 1024, 64>}, {transform_indices = @transform_4, window_bounds = array<i64: 1, 1, 1024>}]} {
    %get3A = arith.constant 0 : index
    %get3A_0 = arith.constant 0 : index
    %get3A_1 = arith.constant 0 : index
    %get3A_2 = vector.load %arg2[%get3A, %get3A_0, %get3A_1] : memref<1x256x1024xf32, #tpu.memory_space<vmem>>, vector<1x256x1024xf32>
    %get3A_3 = vector.shape_cast %get3A_2 : vector<1x256x1024xf32> to vector<256x1024xf32>
    %get3A_4 = arith.constant 0 : index
    %get3A_5 = arith.constant 0 : index
    %get3A_6 = vector.load %arg3[%get3A_4, %get3A_5] : memref<256x64xf32, #tpu.memory_space<vmem>>, vector<256x64xf32>
    %get3A_7 = arith.constant 0 : index
    %get3A_8 = arith.constant 0 : index
    %get3A_9 = vector.load %arg5[%get3A_7, %get3A_8] : memref<1024x64xf32, #tpu.memory_space<vmem>>, vector<1024x64xf32>
    %dot_general3A = arith.constant dense<0.000000e+00> : vector<1024x64xf32>
    %dot_general3A_10 = tpu.matmul %get3A_3, %get3A_6, %dot_general3A {dimension_numbers = #tpu.dot_dimension_numbers<[0], [0], [1], [1], [0, 1, 1, 1], [], []>, transpose_lhs_hint = false} : vector<256x1024xf32>, vector<256x64xf32>, vector<1024x64xf32> -> vector<1024x64xf32>
    %get3A_11 = arith.constant 0 : index
    %get3A_12 = vector.load %arg4[%get3A_11] : memref<64xf32, #tpu.memory_space<vmem>>, vector<64xf32>
    %reshape3A = vector.shape_cast %get3A_12 : vector<64xf32> to vector<1x64xf32>
    %add3A = vector.broadcast %reshape3A : vector<1x64xf32> to vector<1024x64xf32>
    %add3A_13 = arith.addf %dot_general3A_10, %add3A : vector<1024x64xf32>
    %mul3A = arith.mulf %add3A_13, %add3A_13 : vector<1024x64xf32>
    %reduce_sum3A = arith.constant dense<0.000000e+00> : vector<1024xf32>
    %reduce_sum3A_14 = vector.multi_reduction <add>, %mul3A, %reduce_sum3A [1] : vector<1024x64xf32> to vector<1024xf32>
    %broadcast_in_dim3A = vector.shape_cast %reduce_sum3A_14 : vector<1024xf32> to vector<1024x1xf32>
    %sqrt3A = math.sqrt %broadcast_in_dim3A : vector<1024x1xf32>
    %max3A = arith.constant 9.99999993E-9 : f32
    %max3A_15 = vector.broadcast %max3A : f32 to vector<1024x1xf32>
    %max3A_16 = arith.maximumf %sqrt3A, %max3A_15 : vector<1024x1xf32>
    %div3A = vector.broadcast %max3A_16 : vector<1024x1xf32> to vector<1024x64xf32>
    %div3A_17 = arith.divf %add3A_13, %div3A : vector<1024x64xf32>
    %dot_general3A_18 = arith.constant dense<0.000000e+00> : vector<1024x1024xf32>
    %dot_general3A_19 = tpu.matmul %div3A_17, %get3A_9, %dot_general3A_18 {dimension_numbers = #tpu.dot_dimension_numbers<[1], [1], [0], [0], [0, 0, 1, 0], [], []>, transpose_lhs_hint = false} : vector<1024x64xf32>, vector<1024x64xf32>, vector<1024x1024xf32> -> vector<1024x1024xf32>
    %reduce_max3A = arith.constant dense<0xFF800000> : vector<1024xf32>
    %reduce_max3A_20 = vector.multi_reduction <maximumf>, %dot_general3A_19, %reduce_max3A [1] : vector<1024x1024xf32> to vector<1024xf32>
    %broadcast_in_dim3A_21 = vector.shape_cast %reduce_max3A_20 : vector<1024xf32> to vector<1024x1xf32>
    %sub3A = vector.broadcast %broadcast_in_dim3A_21 : vector<1024x1xf32> to vector<1024x1024xf32>
    %sub3A_22 = arith.subf %dot_general3A_19, %sub3A : vector<1024x1024xf32>
    %exp3A = math.exp %sub3A_22 : vector<1024x1024xf32>
    %reduce_sum3A_23 = arith.constant dense<0.000000e+00> : vector<1024xf32>
    %reduce_sum3A_24 = vector.multi_reduction <add>, %exp3A, %reduce_sum3A_23 [1] : vector<1024x1024xf32> to vector<1024xf32>
    %broadcast_in_dim3A_25 = vector.shape_cast %reduce_sum3A_24 : vector<1024xf32> to vector<1024x1xf32>
    %div3A_26 = vector.broadcast %broadcast_in_dim3A_25 : vector<1024x1xf32> to vector<1024x1024xf32>
    %div3A_27 = arith.divf %exp3A, %div3A_26 : vector<1024x1024xf32>
    %argmax3A = tpu.reduce_index %div3A_27 {axis = 1 : i32, kind = #tpu.reduction_kind<arg_max>} : vector<1024x1024xf32> -> vector<1024xi32>
    %reshape3A_28 = vector.shape_cast %argmax3A : vector<1024xi32> to vector<1x1x1024xi32>
    %swap3A = arith.constant 0 : index
    %swap3A_29 = arith.constant 0 : index
    %swap3A_30 = arith.constant 0 : index
    %swap3A_31 = vector.load %arg6[%swap3A, %swap3A_29, %swap3A_30] : memref<1x1x1024xi32, #tpu.memory_space<vmem>>, vector<1x1x1024xi32>
    tpu.vector_store %arg6[%swap3A, %swap3A_29, %swap3A_30], %reshape3A_28 {strides = array<i32>} : memref<1x1x1024xi32, #tpu.memory_space<vmem>>, vector<1x1x1024xi32>,
    return
  }
  func.func @transform_0(%arg0: i32, %arg1: i32) -> (i32, i32, i32) {
    %add3A = arith.constant 0 : i32
    %add3A_0 = arith.addi %arg0, %add3A : i32
    %c0_i32 = arith.constant 0 : i32
    %c0_i32_1 = arith.constant 0 : i32
    return %add3A_0, %c0_i32, %arg1 : i32, i32, i32
  }
  func.func @transform_1(%arg0: i32, %arg1: i32) -> (i32, i32) {
    %c0_i32 = arith.constant 0 : i32
    %c0_i32_0 = arith.constant 0 : i32
    %c0_i32_1 = arith.constant 0 : i32
    return %c0_i32, %c0_i32_0 : i32, i32
  }
  func.func @transform_2(%arg0: i32, %arg1: i32) -> i32 {
    %c0_i32 = arith.constant 0 : i32
    %c0_i32_0 = arith.constant 0 : i32
    return %c0_i32 : i32
  }
  func.func @transform_3(%arg0: i32, %arg1: i32) -> (i32, i32) {
    %c0_i32 = arith.constant 0 : i32
    %c0_i32_0 = arith.constant 0 : i32
    %c0_i32_1 = arith.constant 0 : i32
    return %c0_i32, %c0_i32_0 : i32, i32
  }
  func.func @transform_4(%arg0: i32, %arg1: i32) -> (i32, i32, i32) {
    %c0_i32 = arith.constant 0 : i32
    %c0_i32_0 = arith.constant 0 : i32
    return %arg0, %c0_i32, %arg1 : i32, i32, i32
  }
}

module attributes {stable_mosaic.version = 14 : i64} {
  func.func @_prep_body(%arg0: memref<64x256xf32, #tpu.memory_space<vmem>>, %arg1: memref<256x256xf32, #tpu.memory_space<vmem>>, %arg2: memref<256xf32, #tpu.memory_space<vmem>>, %arg3: memref<256xf32, #tpu.memory_space<vmem>>, %arg4: memref<1024x64xf32, #tpu.memory_space<vmem>>, %arg5: memref<256x128xf32, #tpu.memory_space<vmem>>, %arg6: memref<1024x128xf32, #tpu.memory_space<vmem>>, %arg7: memref<1024x64xf32, #tpu.memory_space<vmem>>) attributes {dimension_semantics = [], scalar_prefetch = 0 : i64, scratch_operands = 0 : i64, tpu.core_type = #tpu.core_type<tc>} {
    %get3A = arith.constant 0 : index
    %get3A_0 = arith.constant 0 : index
    %get3A_1 = vector.load %arg0[%get3A, %get3A_0] : memref<64x256xf32, #tpu.memory_space<vmem>>, vector<64x256xf32>
    %get3A_2 = arith.constant 0 : index
    %get3A_3 = arith.constant 0 : index
    %get3A_4 = vector.load %arg1[%get3A_2, %get3A_3] : memref<256x256xf32, #tpu.memory_space<vmem>>, vector<256x256xf32>
    %dot_general3A = arith.constant dense<0.000000e+00> : vector<256x64xf32>
    %dot_general3A_5 = tpu.matmul %get3A_4, %get3A_1, %dot_general3A {dimension_numbers = #tpu.dot_dimension_numbers<[1], [1], [0], [0], [0, 0, 1, 0], [], []>, transpose_lhs_hint = false} : vector<256x256xf32>, vector<64x256xf32>, vector<256x64xf32> -> vector<256x64xf32>
    %get3A_6 = arith.constant 0 : index
    %get3A_7 = vector.load %arg2[%get3A_6] : memref<256xf32, #tpu.memory_space<vmem>>, vector<256xf32>
    %reshape3A = vector.shape_cast %get3A_7 : vector<256xf32> to vector<1x256xf32>
    %dot_general3A_8 = arith.constant dense<0.000000e+00> : vector<1x256xf32>
    %dot_general3A_9 = tpu.matmul %reshape3A, %get3A_4, %dot_general3A_8 {dimension_numbers = #tpu.dot_dimension_numbers<[1], [1], [0], [0], [0, 0, 1, 0], [], []>, transpose_lhs_hint = false} : vector<1x256xf32>, vector<256x256xf32>, vector<1x256xf32> -> vector<1x256xf32>
    %get3A_10 = arith.constant 0 : index
    %get3A_11 = vector.load %arg3[%get3A_10] : memref<256xf32, #tpu.memory_space<vmem>>, vector<256xf32>
    %reshape3A_12 = vector.shape_cast %get3A_11 : vector<256xf32> to vector<1x256xf32>
    %add3A = arith.addf %dot_general3A_9, %reshape3A_12 : vector<1x256xf32>
    %transpose3A = tpu.transpose %add3A, [1, 0] : vector<1x256xf32> -> vector<256x1xf32>
    %broadcast_in_dim3A = arith.constant 0.000000e+00 : f32
    %broadcast_in_dim3A_13 = vector.broadcast %broadcast_in_dim3A : f32 to vector<256x63xf32>
    %concatenate3A = tpu.concatenate %dot_general3A_5, %transpose3A, %broadcast_in_dim3A_13 in 1 : vector<256x64xf32>, vector<256x1xf32>, vector<256x63xf32> -> vector<256x128xf32>
    %swap3A = arith.constant 0 : index
    %swap3A_14 = arith.constant 0 : index
    %swap3A_15 = vector.load %arg5[%swap3A, %swap3A_14] : memref<256x128xf32, #tpu.memory_space<vmem>>, vector<256x128xf32>
    tpu.vector_store %arg5[%swap3A, %swap3A_14], %concatenate3A {strides = array<i32>} : memref<256x128xf32, #tpu.memory_space<vmem>>, vector<256x128xf32>,
    %get3A_16 = arith.constant 0 : index
    %get3A_17 = arith.constant 0 : index
    %get3A_18 = vector.load %arg4[%get3A_16, %get3A_17] : memref<1024x64xf32, #tpu.memory_space<vmem>>, vector<1024x64xf32>
    %broadcast_in_dim3A_19 = arith.constant 1.000000e+00 : f32
    %broadcast_in_dim3A_20 = vector.broadcast %broadcast_in_dim3A_19 : f32 to vector<1024x1xf32>
    %broadcast_in_dim3A_21 = arith.constant 0.000000e+00 : f32
    %broadcast_in_dim3A_22 = vector.broadcast %broadcast_in_dim3A_21 : f32 to vector<1024x63xf32>
    %concatenate3A_23 = tpu.concatenate %get3A_18, %broadcast_in_dim3A_20, %broadcast_in_dim3A_22 in 1 : vector<1024x64xf32>, vector<1024x1xf32>, vector<1024x63xf32> -> vector<1024x128xf32>
    %swap3A_24 = arith.constant 0 : index
    %swap3A_25 = arith.constant 0 : index
    %swap3A_26 = vector.load %arg6[%swap3A_24, %swap3A_25] : memref<1024x128xf32, #tpu.memory_space<vmem>>, vector<1024x128xf32>
    tpu.vector_store %arg6[%swap3A_24, %swap3A_25], %concatenate3A_23 {strides = array<i32>} : memref<1024x128xf32, #tpu.memory_space<vmem>>, vector<1024x128xf32>,
    %mul3A = arith.mulf %get3A_18, %get3A_18 : vector<1024x64xf32>
    %reduce_sum3A = arith.constant dense<0.000000e+00> : vector<1024xf32>
    %reduce_sum3A_27 = vector.multi_reduction <add>, %mul3A, %reduce_sum3A [1] : vector<1024x64xf32> to vector<1024xf32>
    %broadcast_in_dim3A_28 = vector.shape_cast %reduce_sum3A_27 : vector<1024xf32> to vector<1024x1xf32>
    %sqrt3A = math.sqrt %broadcast_in_dim3A_28 : vector<1024x1xf32>
    %max3A = arith.constant 9.99999996E-13 : f32
    %max3A_29 = vector.broadcast %max3A : f32 to vector<1024x1xf32>
    %max3A_30 = arith.maximumf %sqrt3A, %max3A_29 : vector<1024x1xf32>
    %div3A = vector.broadcast %max3A_30 : vector<1024x1xf32> to vector<1024x64xf32>
    %div3A_31 = arith.divf %get3A_18, %div3A : vector<1024x64xf32>
    %swap3A_32 = arith.constant 0 : index
    %swap3A_33 = arith.constant 0 : index
    %swap3A_34 = vector.load %arg7[%swap3A_32, %swap3A_33] : memref<1024x64xf32, #tpu.memory_space<vmem>>, vector<1024x64xf32>
    tpu.vector_store %arg7[%swap3A_32, %swap3A_33], %div3A_31 {strides = array<i32>} : memref<1024x64xf32, #tpu.memory_space<vmem>>, vector<1024x64xf32>,
    return
  }
}

module attributes {stable_mosaic.version = 14 : i64} {
  func.func @_argmax_body(%arg0: i32, %arg1: i32, %arg2: memref<1x256x1024xf32, #tpu.memory_space<vmem>>, %arg3: memref<256x64xf32, #tpu.memory_space<vmem>>, %arg4: memref<64xf32, #tpu.memory_space<vmem>>, %arg5: memref<1024x64xf32, #tpu.memory_space<vmem>>, %arg6: memref<1x1x1024xi32, #tpu.memory_space<vmem>>) attributes {dimension_semantics = [#tpu.dimension_semantics<parallel>, #tpu.dimension_semantics<parallel>], iteration_bounds = array<i64: 4, 2>, scalar_prefetch = 0 : i64, scratch_operands = 0 : i64, tpu.core_type = #tpu.core_type<tc>, window_params = [{transform_indices = @transform_0, window_bounds = array<i64: 1, 256, 1024>}, {pipeline_mode = #tpu.pipeline_mode<synchronous>, transform_indices = @transform_1, window_bounds = array<i64: 256, 64>}, {pipeline_mode = #tpu.pipeline_mode<synchronous>, transform_indices = @transform_2, window_bounds = array<i64: 64>}, {pipeline_mode = #tpu.pipeline_mode<synchronous>, transform_indices = @transform_3, window_bounds = array<i64: 1024, 64>}, {transform_indices = @transform_4, window_bounds = array<i64: 1, 1, 1024>}]} {
    %get3A = arith.constant 0 : index
    %get3A_0 = arith.constant 0 : index
    %get3A_1 = arith.constant 0 : index
    %get3A_2 = vector.load %arg2[%get3A, %get3A_0, %get3A_1] : memref<1x256x1024xf32, #tpu.memory_space<vmem>>, vector<1x256x1024xf32>
    %get3A_3 = vector.shape_cast %get3A_2 : vector<1x256x1024xf32> to vector<256x1024xf32>
    %get3A_4 = arith.constant 0 : index
    %get3A_5 = arith.constant 0 : index
    %get3A_6 = vector.load %arg3[%get3A_4, %get3A_5] : memref<256x64xf32, #tpu.memory_space<vmem>>, vector<256x64xf32>
    %get3A_7 = arith.constant 0 : index
    %get3A_8 = arith.constant 0 : index
    %get3A_9 = vector.load %arg5[%get3A_7, %get3A_8] : memref<1024x64xf32, #tpu.memory_space<vmem>>, vector<1024x64xf32>
    %dot_general3A = arith.constant dense<0.000000e+00> : vector<1024x64xf32>
    %dot_general3A_10 = tpu.matmul %get3A_3, %get3A_6, %dot_general3A {dimension_numbers = #tpu.dot_dimension_numbers<[0], [0], [1], [1], [0, 1, 1, 1], [], []>, transpose_lhs_hint = false} : vector<256x1024xf32>, vector<256x64xf32>, vector<1024x64xf32> -> vector<1024x64xf32>
    %get3A_11 = arith.constant 0 : index
    %get3A_12 = vector.load %arg4[%get3A_11] : memref<64xf32, #tpu.memory_space<vmem>>, vector<64xf32>
    %reshape3A = vector.shape_cast %get3A_12 : vector<64xf32> to vector<1x64xf32>
    %add3A = vector.broadcast %reshape3A : vector<1x64xf32> to vector<1024x64xf32>
    %add3A_13 = arith.addf %dot_general3A_10, %add3A : vector<1024x64xf32>
    %mul3A = arith.mulf %add3A_13, %add3A_13 : vector<1024x64xf32>
    %reduce_sum3A = arith.constant dense<0.000000e+00> : vector<1024xf32>
    %reduce_sum3A_14 = vector.multi_reduction <add>, %mul3A, %reduce_sum3A [1] : vector<1024x64xf32> to vector<1024xf32>
    %broadcast_in_dim3A = vector.shape_cast %reduce_sum3A_14 : vector<1024xf32> to vector<1024x1xf32>
    %sqrt3A = math.sqrt %broadcast_in_dim3A : vector<1024x1xf32>
    %max3A = arith.constant 9.99999993E-9 : f32
    %max3A_15 = vector.broadcast %max3A : f32 to vector<1024x1xf32>
    %max3A_16 = arith.maximumf %sqrt3A, %max3A_15 : vector<1024x1xf32>
    %div3A = vector.broadcast %max3A_16 : vector<1024x1xf32> to vector<1024x64xf32>
    %div3A_17 = arith.divf %add3A_13, %div3A : vector<1024x64xf32>
    %dot_general3A_18 = arith.constant dense<0.000000e+00> : vector<1024x1024xf32>
    %dot_general3A_19 = tpu.matmul %div3A_17, %get3A_9, %dot_general3A_18 {dimension_numbers = #tpu.dot_dimension_numbers<[1], [1], [0], [0], [0, 0, 1, 0], [], []>, transpose_lhs_hint = false} : vector<1024x64xf32>, vector<1024x64xf32>, vector<1024x1024xf32> -> vector<1024x1024xf32>
    %reduce_max3A = arith.constant dense<0xFF800000> : vector<1024xf32>
    %reduce_max3A_20 = vector.multi_reduction <maximumf>, %dot_general3A_19, %reduce_max3A [1] : vector<1024x1024xf32> to vector<1024xf32>
    %broadcast_in_dim3A_21 = vector.shape_cast %reduce_max3A_20 : vector<1024xf32> to vector<1024x1xf32>
    %sub3A = vector.broadcast %broadcast_in_dim3A_21 : vector<1024x1xf32> to vector<1024x1024xf32>
    %sub3A_22 = arith.subf %dot_general3A_19, %sub3A : vector<1024x1024xf32>
    %exp3A = math.exp %sub3A_22 : vector<1024x1024xf32>
    %reduce_sum3A_23 = arith.constant dense<0.000000e+00> : vector<1024xf32>
    %reduce_sum3A_24 = vector.multi_reduction <add>, %exp3A, %reduce_sum3A_23 [1] : vector<1024x1024xf32> to vector<1024xf32>
    %broadcast_in_dim3A_25 = vector.shape_cast %reduce_sum3A_24 : vector<1024xf32> to vector<1024x1xf32>
    %div3A_26 = vector.broadcast %broadcast_in_dim3A_25 : vector<1024x1xf32> to vector<1024x1024xf32>
    %div3A_27 = arith.divf %exp3A, %div3A_26 : vector<1024x1024xf32>
    %argmax3A = tpu.reduce_index %div3A_27 {axis = 1 : i32, kind = #tpu.reduction_kind<arg_max>} : vector<1024x1024xf32> -> vector<1024xi32>
    %reshape3A_28 = vector.shape_cast %argmax3A : vector<1024xi32> to vector<1x1x1024xi32>
    %swap3A = arith.constant 0 : index
    %swap3A_29 = arith.constant 0 : index
    %swap3A_30 = arith.constant 0 : index
    %swap3A_31 = vector.load %arg6[%swap3A, %swap3A_29, %swap3A_30] : memref<1x1x1024xi32, #tpu.memory_space<vmem>>, vector<1x1x1024xi32>
    tpu.vector_store %arg6[%swap3A, %swap3A_29, %swap3A_30], %reshape3A_28 {strides = array<i32>} : memref<1x1x1024xi32, #tpu.memory_space<vmem>>, vector<1x1x1024xi32>,
    return
  }
  func.func @transform_0(%arg0: i32, %arg1: i32) -> (i32, i32, i32) {
    %add3A = arith.constant 4 : i32
    %add3A_0 = arith.addi %arg0, %add3A : i32
    %c0_i32 = arith.constant 0 : i32
    %c0_i32_1 = arith.constant 0 : i32
    return %add3A_0, %c0_i32, %arg1 : i32, i32, i32
  }
  func.func @transform_1(%arg0: i32, %arg1: i32) -> (i32, i32) {
    %c0_i32 = arith.constant 0 : i32
    %c0_i32_0 = arith.constant 0 : i32
    %c0_i32_1 = arith.constant 0 : i32
    return %c0_i32, %c0_i32_0 : i32, i32
  }
  func.func @transform_2(%arg0: i32, %arg1: i32) -> i32 {
    %c0_i32 = arith.constant 0 : i32
    %c0_i32_0 = arith.constant 0 : i32
    return %c0_i32 : i32
  }
  func.func @transform_3(%arg0: i32, %arg1: i32) -> (i32, i32) {
    %c0_i32 = arith.constant 0 : i32
    %c0_i32_0 = arith.constant 0 : i32
    %c0_i32_1 = arith.constant 0 : i32
    return %c0_i32, %c0_i32_0 : i32, i32
  }
  func.func @transform_4(%arg0: i32, %arg1: i32) -> (i32, i32, i32) {
    %c0_i32 = arith.constant 0 : i32
    %c0_i32_0 = arith.constant 0 : i32
    return %arg0, %c0_i32, %arg1 : i32, i32, i32
  }
}

module attributes {stable_mosaic.version = 14 : i64} {
  func.func @_out_body(%arg0: i32, %arg1: i32, %arg2: memref<1x2048x128xf32, #tpu.memory_space<vmem>>, %arg3: memref<256x128xf32, #tpu.memory_space<vmem>>, %arg4: memref<1x256x2048xf32, #tpu.memory_space<vmem>>) attributes {dimension_semantics = [#tpu.dimension_semantics<arbitrary>, #tpu.dimension_semantics<arbitrary>], iteration_bounds = array<i64: 4, 1>, scalar_prefetch = 0 : i64, scratch_operands = 0 : i64, tpu.core_type = #tpu.core_type<tc>, window_params = [{transform_indices = @transform_0, window_bounds = array<i64: 1, 2048, 128>}, {pipeline_mode = #tpu.pipeline_mode<synchronous>, transform_indices = @transform_1, window_bounds = array<i64: 256, 128>}, {transform_indices = @transform_2, window_bounds = array<i64: 1, 256, 2048>}]} {
    %get3A = arith.constant 0 : index
    %get3A_0 = arith.constant 0 : index
    %get3A_1 = arith.constant 0 : index
    %get3A_2 = vector.load %arg2[%get3A, %get3A_0, %get3A_1] : memref<1x2048x128xf32, #tpu.memory_space<vmem>>, vector<1x2048x128xf32>
    %get3A_3 = vector.shape_cast %get3A_2 : vector<1x2048x128xf32> to vector<2048x128xf32>
    %get3A_4 = arith.constant 0 : index
    %get3A_5 = arith.constant 0 : index
    %get3A_6 = vector.load %arg3[%get3A_4, %get3A_5] : memref<256x128xf32, #tpu.memory_space<vmem>>, vector<256x128xf32>
    %dot_general3A = arith.constant dense<0.000000e+00> : vector<256x2048xf32>
    %dot_general3A_7 = tpu.matmul %get3A_6, %get3A_3, %dot_general3A {dimension_numbers = #tpu.dot_dimension_numbers<[1], [1], [0], [0], [0, 0, 1, 0], [], []>, transpose_lhs_hint = false} : vector<256x128xf32>, vector<2048x128xf32>, vector<256x2048xf32> -> vector<256x2048xf32>
    %swap3A = arith.constant 0 : index
    %swap3A_8 = arith.constant 0 : index
    %swap3A_9 = arith.constant 0 : index
    %swap3A_10 = vector.load %arg4[%swap3A, %swap3A_8, %swap3A_9] : memref<1x256x2048xf32, #tpu.memory_space<vmem>>, vector<1x256x2048xf32>
    %swap3A_11 = vector.shape_cast %swap3A_10 : vector<1x256x2048xf32> to vector<256x2048xf32>
    %swap3A_12 = vector.shape_cast %dot_general3A_7 : vector<256x2048xf32> to vector<1x256x2048xf32>
    tpu.vector_store %arg4[%swap3A, %swap3A_8, %swap3A_9], %swap3A_12 {strides = array<i32>} : memref<1x256x2048xf32, #tpu.memory_space<vmem>>, vector<1x256x2048xf32>,
    return
  }
  func.func @transform_0(%arg0: i32, %arg1: i32) -> (i32, i32, i32) {
    %c0_i32 = arith.constant 0 : i32
    %c0_i32_0 = arith.constant 0 : i32
    return %arg0, %arg1, %c0_i32 : i32, i32, i32
  }
  func.func @transform_1(%arg0: i32, %arg1: i32) -> (i32, i32) {
    %c0_i32 = arith.constant 0 : i32
    %c0_i32_0 = arith.constant 0 : i32
    %c0_i32_1 = arith.constant 0 : i32
    return %c0_i32, %c0_i32_0 : i32, i32
  }
  func.func @transform_2(%arg0: i32, %arg1: i32) -> (i32, i32, i32) {
    %add3A = arith.constant 4 : i32
    %add3A_0 = arith.addi %arg0, %add3A : i32
    %c0_i32 = arith.constant 0 : i32
    %c0_i32_1 = arith.constant 0 : i32
    return %add3A_0, %c0_i32, %arg1 : i32, i32, i32
  }
}

module attributes {stable_mosaic.version = 14 : i64} {
  func.func @_out_body_acc(%arg0: i32, %arg1: i32, %arg2: memref<1x2048x128xf32, #tpu.memory_space<vmem>>, %arg3: memref<256x128xf32, #tpu.memory_space<vmem>>, %arg4: memref<8x256x2048xf32, #tpu.memory_space<any>>, %arg5: memref<1x256x2048xf32, #tpu.memory_space<vmem>>) attributes {dimension_semantics = [#tpu.dimension_semantics<arbitrary>, #tpu.dimension_semantics<arbitrary>], iteration_bounds = array<i64: 4, 1>, scalar_prefetch = 0 : i64, scratch_operands = 0 : i64, tpu.core_type = #tpu.core_type<tc>, window_params = [{transform_indices = @transform_0, window_bounds = array<i64: 1, 2048, 128>}, {pipeline_mode = #tpu.pipeline_mode<synchronous>, transform_indices = @transform_1, window_bounds = array<i64: 256, 128>}, {}, {transform_indices = @transform_3, window_bounds = array<i64: 1, 256, 2048>}]} {
    %get3A = arith.constant 0 : index
    %get3A_0 = arith.constant 0 : index
    %get3A_1 = arith.constant 0 : index
    %get3A_2 = vector.load %arg2[%get3A, %get3A_0, %get3A_1] : memref<1x2048x128xf32, #tpu.memory_space<vmem>>, vector<1x2048x128xf32>
    %get3A_3 = vector.shape_cast %get3A_2 : vector<1x2048x128xf32> to vector<2048x128xf32>
    %get3A_4 = arith.constant 0 : index
    %get3A_5 = arith.constant 0 : index
    %get3A_6 = vector.load %arg3[%get3A_4, %get3A_5] : memref<256x128xf32, #tpu.memory_space<vmem>>, vector<256x128xf32>
    %dot_general3A = arith.constant dense<0.000000e+00> : vector<256x2048xf32>
    %dot_general3A_7 = tpu.matmul %get3A_6, %get3A_3, %dot_general3A {dimension_numbers = #tpu.dot_dimension_numbers<[1], [1], [0], [0], [0, 0, 1, 0], [], []>, transpose_lhs_hint = false} : vector<256x128xf32>, vector<2048x128xf32>, vector<256x2048xf32> -> vector<256x2048xf32>
    %swap3A = arith.constant 0 : index
    %swap3A_8 = arith.constant 0 : index
    %swap3A_9 = arith.constant 0 : index
    %swap3A_10 = vector.load %arg5[%swap3A, %swap3A_8, %swap3A_9] : memref<1x256x2048xf32, #tpu.memory_space<vmem>>, vector<1x256x2048xf32>
    %swap3A_11 = vector.shape_cast %swap3A_10 : vector<1x256x2048xf32> to vector<256x2048xf32>
    %swap3A_12 = vector.shape_cast %dot_general3A_7 : vector<256x2048xf32> to vector<1x256x2048xf32>
    tpu.vector_store %arg5[%swap3A, %swap3A_8, %swap3A_9], %swap3A_12 {strides = array<i32>} : memref<1x256x2048xf32, #tpu.memory_space<vmem>>, vector<1x256x2048xf32>,
    return
  }
  func.func @transform_0(%arg0: i32, %arg1: i32) -> (i32, i32, i32) {
    %c0_i32 = arith.constant 0 : i32
    %c0_i32_0 = arith.constant 0 : i32
    return %arg0, %arg1, %c0_i32 : i32, i32, i32
  }
  func.func @transform_1(%arg0: i32, %arg1: i32) -> (i32, i32) {
    %c0_i32 = arith.constant 0 : i32
    %c0_i32_0 = arith.constant 0 : i32
    %c0_i32_1 = arith.constant 0 : i32
    return %c0_i32, %c0_i32_0 : i32, i32
  }
  func.func @transform_3(%arg0: i32, %arg1: i32) -> (i32, i32, i32) {
    %add3A = arith.constant 0 : i32
    %add3A_0 = arith.addi %arg0, %add3A : i32
    %c0_i32 = arith.constant 0 : i32
    %c0_i32_1 = arith.constant 0 : i32
    return %add3A_0, %c0_i32, %arg1 : i32, i32, i32
  }
}

</mosaic_0001>

<sc_bundles>
// kernel: kernel.12.cloned.1.call-start
scs
__scs_entry_jumppad:
0x0: {  	(pc) =	sbr.rel $0x88, $3  }
0x1: {  	(tag) =	ssettag $0x0;
	lr =	simm.s32 $0x1  }
0x2: {  	[smem:$0x3F99] =	sst lr;
	_ =	strace $0xD0000000  }
0x3: {  	_ = 	snop  }
0x4: {  	_ = 	snop  }
0x5: {  	_ = 	snop  }
0x6: {  	_ = 	snop  }
0x7: {  	_ = 	snop  }
__scs_overlays_trampoline_lowered:
0x8: {  	[smem:$0x3FA8] =	sst s0  }
0x9: {  	[smem:$0x3FA9] =	sst s1  }
0xa: {  	[smem:$0x3FAA] =	sst s2  }
0xb: {  	[smem:$0x3FAB] =	sst s3  }
0xc: {  	[smem:$0x3FAC] =	sst s4  }
0xd: {  	[smem:$0x3FAD] =	sst s5  }
0xe: {  	[smem:$0x3FAE] =	sst s6  }
0xf: {  	[smem:$0x3FAF] =	sst s7  }
0x10: {  	[smem:$0x3FB0] =	sst s8  }
0x11: {  	[smem:$0x3FB1] =	sst s9;
	s0 =	simm.s32 @!p0 $0x0  }
0x12: {  	s1 =	sld [smem:$0x3F97];
	s0 =	simm.s32 @p0 $0x1  }
0x13: {  	[smem:$0x3FB2] =	sst s0;
	s0 =	simm.s32 @!p1 $0x0  }
0x14: {  	s2 =	sld [smem:$0x3F96];
	s0 =	simm.s32 @p1 $0x1  }
0x15: {  	[smem:$0x3FB3] =	sst s0;
	s0 =	simm.s32 @!p2 $0x0  }
0x16: {  	s3 =	sld [smem:$0x3FDB];
	s0 =	simm.s32 @p2 $0x1  }
0x17: {  	s4 =	simm.s32 $0x1BF5;
	[smem:$0x3FB5] =	sst s0  }
0x18: {  	s0 =	sld [smem:$0x3F98];
	_ =	swait.ge [sflag:s4], $0x0  }
0x19: {  	s7 =	sld [smem:$0x3F99]  }
0x1a: {  	s8 =	sadd.s32 $0xFFFFE003, lr  }
0x1b: {  	s9 =	sadd.s32 $0xFFFFFEF7, lr;
	s5 =	simm.s32 $0xFFFFFFFF;
	p2 =	slt.u32 s8, $0xFFFFF086  }
0x1c: {  	p1 =	slt.u32 s9, $0xF7A;
	s5 =	simm.s32 @!p2 $0x0  }
0x1d: {  	s5 =	simm.s32 @p1 $0x1;
	p0 =	seq.s32 s7, s2  }
0x1e: {  	s7 =	smul.u32 @!p0 $0xF7A, s2;
	p2 =	seq.s32 @!p0 s5, $0x0  }
0x1f: {  	s9 =	smul.u32 $0xF7A, s1;
	s8 =	simm.s32 @!p0 $0x1BF5;
	p2 =	por !p2, p0  }
0x20: {  	[sflag:s8] =	ssyncset.s32 @!p0 $0xFFFFF086;
	s6 =	sadd.s32 @!p0 s3, s7;
	s7 =	simm.s32 @!p0 $0x108  }
0x21: {  	s3 =	sadd.s32 s3, s9;
	s6 =	sadd.s32 @!p0 $0x88, s6;
	s7 =	simm.s32 @p2 $0x1082  }
0x22: {  	[simem:s7], [sflag:s8] =	dma.local @!p0 [hbm:s6], $0xF7A  }
0x23: {  	s9 =	sor.u32 $0xD0000000, s2;
	s6 =	simm.s32 $0x108;
	_ =	swait.ge @!p0 [sflag:s8], $0x0  }
0x24: {  	s3 =	sadd.s32 $0x88, s3;
	s6 =	simm.s32 @!p1 $0x1082;
	[sflag:s4] =	ssyncset.s32 $0xFFFFF086  }
0x25: {  	[simem:s6], [sflag:s4] =	dma.local [hbm:s3], $0xF7A  }
0x26: {  	[smem:$0x3F99] =	sst s1;
	(tag) =	ssettag s2;
	_ =	strace s9  }
0x27: {  	s1 =	sld [smem:$0x3FA9]  }
0x28: {  	s2 =	sld [smem:$0x3FAA]  }
0x29: {  	s4 =	sld [smem:$0x3FAC]  }
0x2a: {  	p0 =	seq.s32 s5, $0x0;
	s5 =	sld [smem:$0x3FAD]  }
0x2b: {  	s6 =	sld [smem:$0x3FAE]  }
0x2c: {  	s7 =	sld [smem:$0x3FAF]  }
0x2d: {  	s3 =	simm.s32 $0x108;
	s8 =	sld [smem:$0x3FB0]  }
0x2e: {  	s3 =	simm.s32 @!p0 $0x1082;
	s9 =	sld [smem:$0x3FB1]  }
0x2f: {  	lr =	sadd.s32 s0, s3;
	s0 =	sld [smem:$0x3FA8]  }
0x30: {  	s3 =	sld [smem:$0x3FAB]  }
0x31: {  	[smem:$0x3FB4] =	sst s10  }
0x32: {  	s10 =	sld [smem:$0x3FB2];
	_ =	sdelay $0x3  }
0x33: {  	p0 =	seq.s32 s10, $0x1;
	s10 =	sld [smem:$0x3FB4];
	_ =	sdelay $0x3  }
0x34: {  	[smem:$0x3FB4] =	sst s10  }
0x35: {  	s10 =	sld [smem:$0x3FB3];
	_ =	sdelay $0x3  }
0x36: {  	p1 =	seq.s32 s10, $0x1;
	s10 =	sld [smem:$0x3FB4];
	_ =	sdelay $0x3  }
0x37: {  	[smem:$0x3FB4] =	sst s10  }
0x38: {  	s10 =	sld [smem:$0x3FB5]  }
0x39: {  	_ = 	snop;
	(pc) =	sbr.ind lr, $3  }
0x3a: {  	_ = 	snop  }
0x3b: {  	_ = 	snop  }
0x3c: {  	p2 =	seq.s32 s10, $0x1;
	s10 =	sld [smem:$0x3FB4]  }
0x3d: {  	_ =	shalt  }
0x3e: {  	_ =	shalt  }
0x3f: {  	_ =	shalt  }
0x40: {  	_ =	shalt  }
0x41: {  	_ =	shalt  }
0x42: {  	_ =	shalt  }
0x43: {  	_ =	shalt  }
0x44: {  	_ =	shalt  }
0x45: {  	_ =	shalt  }
0x46: {  	_ =	shalt  }
0x47: {  	_ =	shalt  }
0x48: {  	_ =	shalt  }
0x49: {  	_ =	shalt  }
0x4a: {  	_ =	shalt  }
0x4b: {  	_ =	shalt  }
0x4c: {  	_ =	shalt  }
0x4d: {  	_ =	shalt  }
0x4e: {  	_ =	shalt  }
0x4f: {  	_ =	shalt  }
0x50: {  	_ =	shalt  }
0x51: {  	_ =	shalt  }
0x52: {  	_ =	shalt  }
0x53: {  	_ =	shalt  }
0x54: {  	_ =	shalt  }
0x55: {  	_ =	shalt  }
0x56: {  	_ =	shalt  }
0x57: {  	_ =	shalt  }
0x58: {  	_ =	shalt  }
0x59: {  	_ =	shalt  }
0x5a: {  	_ =	shalt  }
0x5b: {  	_ =	shalt  }
0x5c: {  	_ =	shalt  }
0x5d: {  	_ =	shalt  }
0x5e: {  	_ =	shalt  }
0x5f: {  	_ =	shalt  }
0x60: {  	_ =	shalt  }
0x61: {  	_ =	shalt  }
0x62: {  	_ =	shalt  }
0x63: {  	_ =	shalt  }
0x64: {  	_ =	shalt  }
0x65: {  	_ =	shalt  }
0x66: {  	_ =	shalt  }
0x67: {  	_ =	shalt  }
0x68: {  	_ =	shalt  }
0x69: {  	_ =	shalt  }
0x6a: {  	_ =	shalt  }
0x6b: {  	_ =	shalt  }
0x6c: {  	_ =	shalt  }
0x6d: {  	_ =	shalt  }
0x6e: {  	_ =	shalt  }
0x6f: {  	_ =	shalt  }
0x70: {  	_ =	shalt  }
0x71: {  	_ =	shalt  }
0x72: {  	_ =	shalt  }
0x73: {  	_ =	shalt  }
0x74: {  	_ =	shalt  }
0x75: {  	_ =	shalt  }
0x76: {  	_ =	shalt  }
0x77: {  	_ =	shalt  }
0x78: {  	_ =	shalt  }
0x79: {  	_ =	shalt  }
0x7a: {  	_ =	shalt  }
0x7b: {  	_ =	shalt  }
0x7c: {  	_ =	shalt  }
0x7d: {  	_ =	shalt  }
0x7e: {  	_ =	shalt  }
0x7f: {  	_ =	shalt  }
0x80: {  	_ =	shalt  }
0x81: {  	_ =	shalt  }
0x82: {  	_ =	shalt  }
0x83: {  	_ =	shalt  }
0x84: {  	_ =	shalt  }
0x85: {  	_ =	shalt  }
0x86: {  	_ =	shalt  }
0x87: {  	_ =	shalt  }
.Lfunc_end0:
.L_simem_size_0:
called_computation.1_lowered:
.L_overlay_start_0:
0x88: {  	s2 =	sld [smem:$0x3FD9]  }
0x89: {  	s3 =	sld [smem:$0x3FFE];
	_ =	sdelay $0x1  }
0x8a: {  	s1 =	srdreg.scid  }
0x8b: {  	s0 =	sand.u32 $0x1, s1  }
0x8c: {  	s17 =	sshll.u32 s0, $0xA;
	s2 =	sadd.s32 s3, s2  }
0x8d: {  	s2 =	sadd.s32 s2, s17  }
0x8e: {  	[smem:$0x3FC0] =	sst s2  }
0x8f: {  	_ = 	snop  }
0x90: {  	s2 =	sld [smem:$0x3FD0];
	(tm) =	ssettm $0x1  }
0x91: {  	s18 =	sld [smem:$0x3FFB];
	_ =	sdelay $0x3  }
0x92: {  	_ =	strace s18  }
0x93: {  	s3 =	sld [smem:$0x3FFC];
	_ =	sdelay $0x3  }
0x94: {  	_ =	strace s3  }
0x95: {  	s3 =	sld [smem:$0x3FFD];
	_ =	sdelay $0x3  }
0x96: {  	_ =	strace s3  }
0x97: {  	_ =	strace $0x8FFFFFFF  }
0x98: {  	s19 =	sld [smem:$0x3FDB];
	_ =	sdelay $0x1  }
0x99: {  	s4 =	simm.s32 $_scs_section_size  }
0x9a: {  	s5 =	simm.s32 $_size__tile_overlayer_lowered;
	s6 =	simm.s32 $_tile_overlayer_lowered  }
0x9b: {  	s22 =	simm.s32 $0x1BFF;
	s21 =	sshll.u32 s6, $0x1;
	s3 =	sadd.s32 s4, s19  }
0x9c: {  	s7 =	simm.s32 $0x0;
	s20 =	sshll.u32 s5, $0x1;
	s5 =	sadd.s32 s21, s3  }
0x9d: {  	[timem:s7], [sflag:s22] =	dma.local [hbm:s5], s20  }
0x9e: {  	_ =	swait.ge [sflag:s22], s20  }
0x9f: {  	s4 =	ssub.s32 $0x0, s20;
	[sflag:s22] =	ssyncset.done $0x0  }
0xa0: {  	[sflag:s22] =	ssyncadd.s32 s4;
	_ =	sdelay $0x1  }
0xa1: {  	s23 =	simm.s32 $0x1B8B  }
0xa2: {  	_ =	swait.ge [sflag:s23], $0x1  }
0xa3: {  	[sflag:s23] =	ssyncset.done $0x0  }
0xa4: {  	s25 =	simm.s32 $0x1B8E;
	s24 =	sld [smem:$0x3FFE];
	[sflag:s23] =	ssyncadd.s32 $0xFFFFFFFF  }
0xa5: {  	s26 =	simm.s32 $execute0_lowered;
	[smem:$0x3FD2] =	sst s25  }
0xa6: {  	s5 =	sshll.u32 s26, $0x1;
	_ =	strace $0x80000046;
	[dreg:$0x1] =	wrdreg $0xFFFFFFFF  }
0xa7: {  	s28 =	simm.s32 $_size_execute0_lowered;
	s3 =	sadd.s32 s3, s5;
	[dreg:$0x0] =	wrdreg $0x0  }
0xa8: {  	s5 =	sshll.u32 s28, $0x1;
	[dreg:$0x2] =	wrdreg s3  }
0xa9: {  	[dreg:$0x3] =	wrdreg s5  }
0xaa: {  	[dreg:$0x4] =	wrdreg $0xC0  }
0xab: {  	_ =	task [dreg:s7], $0x5FFFF  }
0xac: {  	[dreg:$0x1] =	wrdreg $0xFFFFFFFF  }
0xad: {  	[dreg:$0x0] =	wrdreg $0x60  }
0xae: {  	[dreg:$0x2] =	wrdreg s24  }
0xaf: {  	[dreg:$0x3] =	wrdreg s2  }
0xb0: {  	[dreg:$0x4] =	wrdreg $0xA  }
0xb1: {  	_ =	task.clear_ibuf [dreg:s7], $0x5FFFF;
	_ =	strace $0x90000046  }
0xb2: {  	s29 =	simm.s32 $0xA;
	_ =	strace $0x80000048  }
0xb3: {  	_ =	swait.ge [sflag:s29], $0x1  }
0xb4: {  	[sflag:s29] =	ssyncadd.s32 $0xFFFFFFFF  }
0xb5: {  	_ =	strace $0x90000048  }
0xb6: {  	_ =	sfence  }
0xb7: {  	s30 =	sld [smem:$0x0];
	_ =	sdelay $0x2  }
0xb8: {  	s31 =	sshll.u32 s1, $0xD;
	s1 =	sshrl.u32 s1, $0x2  }
0xb9: {  	s3 =	sand.u32 $0x4000, s31;
	s1 =	sadd.s32 s1, s30  }
0xba: {  	s0 =	sor.u32 s3, s0;
	s1 =	sshll.u32 s1, $0x11  }
0xbb: {  	s0 =	sor.u32 s1, s0  }
0xbc: {  	s0 =	sadd.s32 $0x8F2B, s0  }
0xbd: {  	[sflag:s0] =	ssyncadd.remote.s32 $0x1  }
0xbe: {  	_ =	sfence.sel $0xFFFF  }
0xbf: {  	[dreg:$0x0] =	wrdreg $0xFFFFFFFF;
	(pc) =	sbr.abs _section_cstart, $3  }
0xc0: {  	[dreg:$0x1] =	wrdreg $0xFFFFFFFF  }
0xc1: {  	_ =	task.clear_ibuf [dreg:s7], $0x2FFFF;
	_ =	strace $0x9FFFFFFF  }
0xc2: {  	(tm) =	ssettm $0x7FFFFFFF  }
0xc3: {  	_ =	shalt  }
tec
execute0_lowered:
.L_overlay_start_1:
0x0: {  	(tag) =	ssettag $0x1  }
0x1: {  	s1 =	srdreg.scid  }
0x2: {  	s0 =	stileid.u32;
	s10 =	sand.u32 $0x1, s1  }
0x3: {  	s5 =	rddreg [dreg:$0x0];
	s29 =	sshll.u32 s0, $0x9;
	s2 =	sshll.u32 s10, $0x8  }
0x4: {  	s11 =	rddreg [dreg:$0x1];
	s12 =	sor.u32 s2, s29  }
0x5: {  	s1 =	rddreg [dreg:$0x2];
	s2 =	simm.s32 $0x0;
	s3 =	sshrl.u32 s12, $0x3  }
0x6: {  	[smem:$0x7FF] =	sst s2;
	s3 =	sadd.s32 s3, s5  }
0x7: {  	_ =	strace $0x80000047;
	s4 =	sadd.s32 $0x6000, s3;
	s3 =	simm.s32 $0x2  }
0x8: {  	[tilespmem:s2], [sflag:$0x2] =	stream.linear.gather [hbm4b:s4+s2], $0x100, $0x38;
	[tilespmem:$0x8100] =	vst v63  }
0x9: {  	_ =	swait.ge [sflag:s3], $0x100  }
0xa: {  	s6 =	simm.s32 $0x80;
	[sflag:s3] =	ssyncset.done $0x0  }
0xb: {  	s7 =	simm.s32 $0x100;
	s5 =	sadd.s32 $0x2000, s5;
	[sflag:s3] =	ssyncadd.s32 $0xFFFFFF00  }
0xc: {  	[tilespmem:s7], [sflag:$0x1] =	stream.indirect.gather [hbm4b:s5+s6], $0x80, s2, s6, $0xb8;
	[tilespmem:$0x8100] =	vst v63  }
0xd: {  	s8 =	simm.s32 $0x4100;
	s9 =	simm.s32 $0x1;
	s10 =	ssub.s32 $0x2, s10  }
0xe: {  	[tilespmem:s8], [sflag:$0x1] =	stream.indirect.gather [hbm4b:s5+s6], $0x80, s6, s6, $0xb8;
	[tilespmem:$0x8100] =	vst v63  }
0xf: {  	s13 =	sshrl.u32 s10, $0x1;
	_ =	swait.ge [sflag:s9], $0x4000  }
0x10: {  	s13 =	ssub.s32 s10, s13;
	[sflag:s9] =	ssyncset.done $0x0  }
0x11: {  	s31 =	smax.u32 s13, $0x1;
	[sflag:s9] =	ssyncadd.s32 $0xFFFFC000  }
0x12: {  	p0 =	sne.s32 s31, $0x1;
	_ =	swait.ge [sflag:s9], $0x4000  }
.Ltmp0:
0x13: {  	s30 =	sshll.u32 s12, $0x4;
	[sflag:s9] =	ssyncset.done $0x0;
	(pc) =	sbr.rel @!p0 .LBB2_2-.Ltmp0, $4  }
0x14: {  	s10 =	sadd.s32 s11, s30;
	[sflag:s9] =	ssyncadd.s32 $0xFFFFC000  }
0x15: {  	[hbm4b:s10+s2] =	stream.linear.scatter [tilespmem:s7], [sflag:$0x2], $0x8000, $0x38;
	[tilespmem:$0x8100] =	vst v63  }
0x16: {  	_ =	swait.ge [sflag:s3], $0x8000  }
0x17: {  	s11 =	sadd.s32 $0xFFFFFFFF, s31;
	[sflag:s3] =	ssyncset.done $0x0  }
.LBB2_1:
0x18: {  	p0 =	sne.s32 s11, $0x1;
	s11 =	sadd.s32 $0xFFFFFFFF, s11;
	[sflag:s3] =	ssyncadd.s32 $0xFFFF8000  }
0x19: {  	[tilespmem:s2], [sflag:$0x2] =	stream.linear.gather [hbm4b:s4+s2], $0x100, $0x38;
	[tilespmem:$0x8100] =	vst v63  }
0x1a: {  	_ =	swait.ge [sflag:s3], $0x100  }
0x1b: {  	[sflag:s3] =	ssyncset.done $0x0  }
0x1c: {  	[sflag:s3] =	ssyncadd.s32 $0xFFFFFF00  }
0x1d: {  	[tilespmem:s7], [sflag:$0x1] =	stream.indirect.gather [hbm4b:s5+s6], $0x80, s2, s6, $0xb8;
	[tilespmem:$0x8100] =	vst v63  }
0x1e: {  	_ = 	snop  }
0x1f: {  	[tilespmem:s8], [sflag:$0x1] =	stream.indirect.gather [hbm4b:s5+s6], $0x80, s6, s6, $0xb8;
	[tilespmem:$0x8100] =	vst v63  }
0x20: {  	_ =	swait.ge [sflag:s9], $0x4000  }
0x21: {  	[sflag:s9] =	ssyncset.done $0x0  }
0x22: {  	[sflag:s9] =	ssyncadd.s32 $0xFFFFC000  }
0x23: {  	_ =	swait.ge [sflag:s9], $0x4000  }
.Ltmp1:
0x24: {  	[sflag:s9] =	ssyncset.done $0x0;
	(pc) =	sbr.rel @p0 .LBB2_1-.Ltmp1, $4  }
0x25: {  	[sflag:s9] =	ssyncadd.s32 $0xFFFFC000  }
0x26: {  	[hbm4b:s10+s2] =	stream.linear.scatter [tilespmem:s7], [sflag:$0x2], $0x8000, $0x38;
	[tilespmem:$0x8100] =	vst v63  }
0x27: {  	_ =	swait.ge [sflag:s3], $0x8000  }
0x28: {  	[sflag:s3] =	ssyncset.done $0x0  }
.LBB2_2:
0x29: {  	[sflag:s3] =	ssyncadd.s32 $0xFFFF8000  }
0x2a: {  	_ =	sfence.sel $0x180000  }
0x2b: {  	[bflag:$0x0] =	sbarrier.arrive $0xFFFF  }
0x2c: {  	p0 =	sne.s32 s0, $0x0;
	_ =	strace $0x90000047  }
0x2d: {  	s0 =	sadd.s32 @!p0 $0x100000, s1;
	[bflag:$0x2] =	sbarrier.arrive $0xFFFF  }
0x2e: {  	[sflag:s0] =	ssyncadd.tile.s32 @!p0 $0x1;
	_ =	shalt  }
.Lfunc_end2:
_tile_overlayer_lowered:
.L_overlay_start_2:
0x2f: {  	(tag) =	ssettag $0x2  }
0x30: {  	s0 =	rddreg [dreg:$0x0];
	s2 =	stileid.u32  }
0x31: {  	s1 =	rddreg [dreg:$0x1];
	p0 =	sne.s32 s2, $0x0  }
0x32: {  	s3 =	rddreg [dreg:$0x2];
	[bflag:$0x3] =	sbarrier.arrive $0xFFFF;
	s2 =	simm.s32 @!p0 $0x1C02  }
0x33: {  	[timem:s3], [sflag:s2] =	dma.local @!p0 [hbm:s0], s1  }
0x34: {  	s0 =	simm.s32 @!p0 $0x2  }
0x35: {  	_ =	swait.ge @!p0 [sflag:s0], s1  }
0x36: {  	s1 =	ssub.s32 @!p0 $0x0, s1;
	[sflag:s0] =	ssyncset.done @!p0 $0x0  }
0x37: {  	[sflag:s0] =	ssyncadd.s32 @!p0 s1  }
0x38: {  	[bflag:$0x3] =	sbarrier.arrive $0xFFFF  }
0x39: {  	_ =	shalt  }

// kernel: kernel.9.cloned.1.call-start
scs
__scs_entry_jumppad:
0x0: {  	(pc) =	sbr.rel $0x88, $3  }
0x1: {  	(tag) =	ssettag $0x0;
	lr =	simm.s32 $0x1  }
0x2: {  	[smem:$0x3F99] =	sst lr;
	_ =	strace $0xD0000000  }
0x3: {  	_ = 	snop  }
0x4: {  	_ = 	snop  }
0x5: {  	_ = 	snop  }
0x6: {  	_ = 	snop  }
0x7: {  	_ = 	snop  }
__scs_overlays_trampoline_lowered:
0x8: {  	[smem:$0x3FA8] =	sst s0  }
0x9: {  	[smem:$0x3FA9] =	sst s1  }
0xa: {  	[smem:$0x3FAA] =	sst s2  }
0xb: {  	[smem:$0x3FAB] =	sst s3  }
0xc: {  	[smem:$0x3FAC] =	sst s4  }
0xd: {  	[smem:$0x3FAD] =	sst s5  }
0xe: {  	[smem:$0x3FAE] =	sst s6  }
0xf: {  	[smem:$0x3FAF] =	sst s7  }
0x10: {  	[smem:$0x3FB0] =	sst s8  }
0x11: {  	[smem:$0x3FB1] =	sst s9;
	s0 =	simm.s32 @!p0 $0x0  }
0x12: {  	s1 =	sld [smem:$0x3F97];
	s0 =	simm.s32 @p0 $0x1  }
0x13: {  	[smem:$0x3FB2] =	sst s0;
	s0 =	simm.s32 @!p1 $0x0  }
0x14: {  	s2 =	sld [smem:$0x3F96];
	s0 =	simm.s32 @p1 $0x1  }
0x15: {  	[smem:$0x3FB3] =	sst s0;
	s0 =	simm.s32 @!p2 $0x0  }
0x16: {  	s3 =	sld [smem:$0x3FDB];
	s0 =	simm.s32 @p2 $0x1  }
0x17: {  	s4 =	simm.s32 $0x1BF5;
	[smem:$0x3FB5] =	sst s0  }
0x18: {  	s0 =	sld [smem:$0x3F98];
	_ =	swait.ge [sflag:s4], $0x0  }
0x19: {  	s7 =	sld [smem:$0x3F99]  }
0x1a: {  	s8 =	sadd.s32 $0xFFFFE003, lr  }
0x1b: {  	s9 =	sadd.s32 $0xFFFFFEF7, lr;
	s5 =	simm.s32 $0xFFFFFFFF;
	p2 =	slt.u32 s8, $0xFFFFF086  }
0x1c: {  	p1 =	slt.u32 s9, $0xF7A;
	s5 =	simm.s32 @!p2 $0x0  }
0x1d: {  	s5 =	simm.s32 @p1 $0x1;
	p0 =	seq.s32 s7, s2  }
0x1e: {  	s7 =	smul.u32 @!p0 $0xF7A, s2;
	p2 =	seq.s32 @!p0 s5, $0x0  }
0x1f: {  	s9 =	smul.u32 $0xF7A, s1;
	s8 =	simm.s32 @!p0 $0x1BF5;
	p2 =	por !p2, p0  }
0x20: {  	[sflag:s8] =	ssyncset.s32 @!p0 $0xFFFFF086;
	s6 =	sadd.s32 @!p0 s3, s7;
	s7 =	simm.s32 @!p0 $0x108  }
0x21: {  	s3 =	sadd.s32 s3, s9;
	s6 =	sadd.s32 @!p0 $0x88, s6;
	s7 =	simm.s32 @p2 $0x1082  }
0x22: {  	[simem:s7], [sflag:s8] =	dma.local @!p0 [hbm:s6], $0xF7A  }
0x23: {  	s9 =	sor.u32 $0xD0000000, s2;
	s6 =	simm.s32 $0x108;
	_ =	swait.ge @!p0 [sflag:s8], $0x0  }
0x24: {  	s3 =	sadd.s32 $0x88, s3;
	s6 =	simm.s32 @!p1 $0x1082;
	[sflag:s4] =	ssyncset.s32 $0xFFFFF086  }
0x25: {  	[simem:s6], [sflag:s4] =	dma.local [hbm:s3], $0xF7A  }
0x26: {  	[smem:$0x3F99] =	sst s1;
	(tag) =	ssettag s2;
	_ =	strace s9  }
0x27: {  	s1 =	sld [smem:$0x3FA9]  }
0x28: {  	s2 =	sld [smem:$0x3FAA]  }
0x29: {  	s4 =	sld [smem:$0x3FAC]  }
0x2a: {  	p0 =	seq.s32 s5, $0x0;
	s5 =	sld [smem:$0x3FAD]  }
0x2b: {  	s6 =	sld [smem:$0x3FAE]  }
0x2c: {  	s7 =	sld [smem:$0x3FAF]  }
0x2d: {  	s3 =	simm.s32 $0x108;
	s8 =	sld [smem:$0x3FB0]  }
0x2e: {  	s3 =	simm.s32 @!p0 $0x1082;
	s9 =	sld [smem:$0x3FB1]  }
0x2f: {  	lr =	sadd.s32 s0, s3;
	s0 =	sld [smem:$0x3FA8]  }
0x30: {  	s3 =	sld [smem:$0x3FAB]  }
0x31: {  	[smem:$0x3FB4] =	sst s10  }
0x32: {  	s10 =	sld [smem:$0x3FB2];
	_ =	sdelay $0x3  }
0x33: {  	p0 =	seq.s32 s10, $0x1;
	s10 =	sld [smem:$0x3FB4];
	_ =	sdelay $0x3  }
0x34: {  	[smem:$0x3FB4] =	sst s10  }
0x35: {  	s10 =	sld [smem:$0x3FB3];
	_ =	sdelay $0x3  }
0x36: {  	p1 =	seq.s32 s10, $0x1;
	s10 =	sld [smem:$0x3FB4];
	_ =	sdelay $0x3  }
0x37: {  	[smem:$0x3FB4] =	sst s10  }
0x38: {  	s10 =	sld [smem:$0x3FB5]  }
0x39: {  	_ = 	snop;
	(pc) =	sbr.ind lr, $3  }
0x3a: {  	_ = 	snop  }
0x3b: {  	_ = 	snop  }
0x3c: {  	p2 =	seq.s32 s10, $0x1;
	s10 =	sld [smem:$0x3FB4]  }
0x3d: {  	_ =	shalt  }
0x3e: {  	_ =	shalt  }
0x3f: {  	_ =	shalt  }
0x40: {  	_ =	shalt  }
0x41: {  	_ =	shalt  }
0x42: {  	_ =	shalt  }
0x43: {  	_ =	shalt  }
0x44: {  	_ =	shalt  }
0x45: {  	_ =	shalt  }
0x46: {  	_ =	shalt  }
0x47: {  	_ =	shalt  }
0x48: {  	_ =	shalt  }
0x49: {  	_ =	shalt  }
0x4a: {  	_ =	shalt  }
0x4b: {  	_ =	shalt  }
0x4c: {  	_ =	shalt  }
0x4d: {  	_ =	shalt  }
0x4e: {  	_ =	shalt  }
0x4f: {  	_ =	shalt  }
0x50: {  	_ =	shalt  }
0x51: {  	_ =	shalt  }
0x52: {  	_ =	shalt  }
0x53: {  	_ =	shalt  }
0x54: {  	_ =	shalt  }
0x55: {  	_ =	shalt  }
0x56: {  	_ =	shalt  }
0x57: {  	_ =	shalt  }
0x58: {  	_ =	shalt  }
0x59: {  	_ =	shalt  }
0x5a: {  	_ =	shalt  }
0x5b: {  	_ =	shalt  }
0x5c: {  	_ =	shalt  }
0x5d: {  	_ =	shalt  }
0x5e: {  	_ =	shalt  }
0x5f: {  	_ =	shalt  }
0x60: {  	_ =	shalt  }
0x61: {  	_ =	shalt  }
0x62: {  	_ =	shalt  }
0x63: {  	_ =	shalt  }
0x64: {  	_ =	shalt  }
0x65: {  	_ =	shalt  }
0x66: {  	_ =	shalt  }
0x67: {  	_ =	shalt  }
0x68: {  	_ =	shalt  }
0x69: {  	_ =	shalt  }
0x6a: {  	_ =	shalt  }
0x6b: {  	_ =	shalt  }
0x6c: {  	_ =	shalt  }
0x6d: {  	_ =	shalt  }
0x6e: {  	_ =	shalt  }
0x6f: {  	_ =	shalt  }
0x70: {  	_ =	shalt  }
0x71: {  	_ =	shalt  }
0x72: {  	_ =	shalt  }
0x73: {  	_ =	shalt  }
0x74: {  	_ =	shalt  }
0x75: {  	_ =	shalt  }
0x76: {  	_ =	shalt  }
0x77: {  	_ =	shalt  }
0x78: {  	_ =	shalt  }
0x79: {  	_ =	shalt  }
0x7a: {  	_ =	shalt  }
0x7b: {  	_ =	shalt  }
0x7c: {  	_ =	shalt  }
0x7d: {  	_ =	shalt  }
0x7e: {  	_ =	shalt  }
0x7f: {  	_ =	shalt  }
0x80: {  	_ =	shalt  }
0x81: {  	_ =	shalt  }
0x82: {  	_ =	shalt  }
0x83: {  	_ =	shalt  }
0x84: {  	_ =	shalt  }
0x85: {  	_ =	shalt  }
0x86: {  	_ =	shalt  }
0x87: {  	_ =	shalt  }
.Lfunc_end0:
.L_simem_size_0:
called_computation_lowered:
.L_overlay_start_0:
0x88: {  	s2 =	sld [smem:$0x3FD9]  }
0x89: {  	s3 =	sld [smem:$0x3FFE];
	_ =	sdelay $0x1  }
0x8a: {  	s1 =	srdreg.scid  }
0x8b: {  	s0 =	sand.u32 $0x1, s1  }
0x8c: {  	s17 =	sshll.u32 s0, $0xA;
	s2 =	sadd.s32 s3, s2  }
0x8d: {  	s2 =	sadd.s32 s2, s17  }
0x8e: {  	[smem:$0x3FC0] =	sst s2  }
0x8f: {  	_ = 	snop  }
0x90: {  	(tm) =	ssettm $0x1  }
0x91: {  	s18 =	sld [smem:$0x3FFB];
	_ =	sdelay $0x3  }
0x92: {  	_ =	strace s18  }
0x93: {  	s2 =	sld [smem:$0x3FFC];
	_ =	sdelay $0x3  }
0x94: {  	_ =	strace s2  }
0x95: {  	s2 =	sld [smem:$0x3FFD];
	_ =	sdelay $0x3  }
0x96: {  	_ =	strace s2  }
0x97: {  	_ =	strace $0x8FFFFFFF  }
0x98: {  	s19 =	sld [smem:$0x3FDB];
	_ =	sdelay $0x1  }
0x99: {  	s20 =	simm.s32 $_scs_section_size  }
0x9a: {  	s4 =	simm.s32 $_size__tile_overlayer_lowered;
	s5 =	simm.s32 $_tile_overlayer_lowered  }
0x9b: {  	s6 =	simm.s32 $0x1BFF;
	s21 =	sshll.u32 s5, $0x1;
	s3 =	sadd.s32 s20, s19  }
0x9c: {  	s22 =	simm.s32 $0x0;
	s4 =	sshll.u32 s4, $0x1;
	s5 =	sadd.s32 s21, s3  }
0x9d: {  	[timem:s22], [sflag:s6] =	dma.local [hbm:s5], s4  }
0x9e: {  	_ =	swait.ge [sflag:s6], s4  }
0x9f: {  	s4 =	ssub.s32 $0x0, s4;
	[sflag:s6] =	ssyncset.done $0x0  }
0xa0: {  	[sflag:s6] =	ssyncadd.s32 s4;
	_ =	sdelay $0x1  }
0xa1: {  	s23 =	simm.s32 $0x1B8B  }
0xa2: {  	_ =	swait.ge [sflag:s23], $0x1  }
0xa3: {  	[sflag:s23] =	ssyncset.done $0x0  }
0xa4: {  	[sflag:s23] =	ssyncadd.s32 $0xFFFFFFFF  }
0xa5: {  	s4 =	sld [smem:$0x0]  }
0xa6: {  	s5 =	sand.u32 $0xFFFFFFFE, s1  }
0xa7: {  	p0 =	sne.s32 s1, s5  }
0xa8: {  	s5 =	sshll.u32 @p0 s5, $0xE  }
0xa9: {  	s5 =	sadd.s32 @p0 $0x11B8D, s5;
	s6 =	sshll.u32 @p0 s4, $0x11  }
0xaa: {  	s5 =	sor.u32 @p0 s6, s5  }
0xab: {  	[sflag:s5] =	ssyncadd.remote.s32 @p0 $0x1;
	_ =	sdelay $0x1  }
0xac: {  	s5 =	simm.s32 @p0 $0x1B8D  }
0xad: {  	_ =	swait.eq @p0 [sflag:s5], $0x1  }
0xae: {  	[sflag:s5] =	ssyncadd.s32 @p0 $0xFFFFFFFF  }
0xaf: {  	s6 =	sshll.u32 @!p0 s1, $0xE  }
0xb0: {  	s6 =	sor.u32 @!p0 $0x4000, s6;
	s5 =	simm.s32 @!p0 $0x1B8D  }
0xb1: {  	s4 =	sshll.u32 @!p0 s4, $0x11;
	s6 =	sadd.s32 @!p0 $0x11B8D, s6;
	_ =	swait.eq @!p0 [sflag:s5], $0x1  }
0xb2: {  	s4 =	sor.u32 @!p0 s4, s6;
	[sflag:s5] =	ssyncadd.s32 @!p0 $0xFFFFFFFF  }
0xb3: {  	s25 =	simm.s32 $0x1B8E;
	s24 =	sld [smem:$0x3FFE];
	[sflag:s4] =	ssyncadd.remote.s32 @!p0 $0x1  }
0xb4: {  	s26 =	simm.s32 $execute0_lowered;
	[smem:$0x3FD2] =	sst s25  }
0xb5: {  	s5 =	sshll.u32 s26, $0x1;
	_ =	strace $0x80000049;
	[dreg:$0x1] =	wrdreg $0xFFFFFFFF  }
0xb6: {  	s28 =	simm.s32 $_size_execute0_lowered;
	s3 =	sadd.s32 s3, s5;
	[dreg:$0x0] =	wrdreg $0x0  }
0xb7: {  	s5 =	sshll.u32 s28, $0x1;
	[dreg:$0x2] =	wrdreg s3  }
0xb8: {  	[dreg:$0x3] =	wrdreg s5  }
0xb9: {  	[dreg:$0x4] =	wrdreg $0xC0  }
0xba: {  	_ =	task [dreg:s22], $0x5FFFF  }
0xbb: {  	[dreg:$0x1] =	wrdreg $0xFFFFFFFF  }
0xbc: {  	[dreg:$0x0] =	wrdreg $0x60  }
0xbd: {  	[dreg:$0x2] =	wrdreg s24  }
0xbe: {  	[dreg:$0x3] =	wrdreg $0x9  }
0xbf: {  	_ =	task.clear_ibuf [dreg:s22], $0x4FFFF;
	_ =	strace $0x90000049  }
0xc0: {  	s29 =	simm.s32 $0x9;
	_ =	strace $0x8000004B  }
0xc1: {  	_ =	swait.ge [sflag:s29], $0x1  }
0xc2: {  	[sflag:s29] =	ssyncadd.s32 $0xFFFFFFFF  }
0xc3: {  	_ =	strace $0x9000004B  }
0xc4: {  	_ =	sfence  }
0xc5: {  	s30 =	sld [smem:$0x0];
	_ =	sdelay $0x2  }
0xc6: {  	s31 =	sshll.u32 s1, $0xD;
	s1 =	sshrl.u32 s1, $0x2  }
0xc7: {  	s4 =	sand.u32 $0x4000, s31;
	s1 =	sadd.s32 s1, s30  }
0xc8: {  	s0 =	sor.u32 s4, s0;
	s1 =	sshll.u32 s1, $0x11  }
0xc9: {  	s0 =	sor.u32 s1, s0  }
0xca: {  	s0 =	sadd.s32 $0x8F2B, s0  }
0xcb: {  	[sflag:s0] =	ssyncadd.remote.s32 $0x1  }
0xcc: {  	_ =	sfence.sel $0xFFFF  }
0xcd: {  	[dreg:$0x0] =	wrdreg $0xFFFFFFFF;
	(pc) =	sbr.abs _section_cstart, $3  }
0xce: {  	[dreg:$0x1] =	wrdreg $0xFFFFFFFF  }
0xcf: {  	_ =	task.clear_ibuf [dreg:s22], $0x2FFFF;
	_ =	strace $0x9FFFFFFF  }
0xd0: {  	(tm) =	ssettm $0x7FFFFFFF  }
0xd1: {  	_ =	shalt  }
tec
execute0_lowered:
.L_overlay_start_1:
0x0: {  	(tag) =	ssettag $0x1  }
0x1: {  	s1 =	srdreg.scid  }
0x2: {  	s0 =	stileid.u32;
	s10 =	sand.u32 $0x1, s1  }
0x3: {  	s29 =	sshll.u32 s0, $0x9;
	s2 =	sshll.u32 s10, $0x8  }
0x4: {  	s11 =	rddreg [dreg:$0x0];
	s12 =	sor.u32 s2, s29  }
0x5: {  	s1 =	rddreg [dreg:$0x1];
	s2 =	simm.s32 $0x0;
	s3 =	sshrl.u32 s12, $0x3  }
0x6: {  	[smem:$0x7FF] =	sst s2;
	s3 =	sadd.s32 s3, s11  }
0x7: {  	_ =	strace $0x8000004A;
	s4 =	sadd.s32 $0x6400, s3;
	s3 =	simm.s32 $0x2  }
0x8: {  	[tilespmem:s2], [sflag:$0x2] =	stream.linear.gather [hbm4b:s4+s2], $0x100, $0x38;
	[tilespmem:$0x8100] =	vst v63  }
0x9: {  	_ =	swait.ge [sflag:s3], $0x100  }
0xa: {  	s6 =	simm.s32 $0x80;
	[sflag:s3] =	ssyncset.done $0x0  }
0xb: {  	s7 =	simm.s32 $0x100;
	s5 =	sadd.s32 $0x2000, s11;
	[sflag:s3] =	ssyncadd.s32 $0xFFFFFF00  }
0xc: {  	[tilespmem:s7], [sflag:$0x1] =	stream.indirect.gather [hbm4b:s5+s6], $0x80, s2, s6, $0xb8;
	[tilespmem:$0x8100] =	vst v63  }
0xd: {  	s8 =	simm.s32 $0x4100;
	s9 =	simm.s32 $0x1;
	s10 =	ssub.s32 $0x2, s10  }
0xe: {  	[tilespmem:s8], [sflag:$0x1] =	stream.indirect.gather [hbm4b:s5+s6], $0x80, s6, s6, $0xb8;
	[tilespmem:$0x8100] =	vst v63  }
0xf: {  	s13 =	sshrl.u32 s10, $0x1;
	_ =	swait.ge [sflag:s9], $0x4000  }
0x10: {  	s30 =	ssub.s32 s10, s13;
	[sflag:s9] =	ssyncset.done $0x0  }
0x11: {  	s31 =	smax.u32 s30, $0x1;
	[sflag:s9] =	ssyncadd.s32 $0xFFFFC000  }
0x12: {  	s12 =	sshll.u32 s12, $0x4;
	p0 =	sne.s32 s31, $0x1;
	_ =	swait.ge [sflag:s9], $0x4000  }
.Ltmp0:
0x13: {  	s11 =	sadd.s32 s12, s11;
	[sflag:s9] =	ssyncset.done $0x0;
	(pc) =	sbr.rel @!p0 .LBB2_2-.Ltmp0, $4  }
0x14: {  	s10 =	sadd.s32 $0x6800, s11;
	[sflag:s9] =	ssyncadd.s32 $0xFFFFC000  }
0x15: {  	[hbm4b:s10+s2] =	stream.linear.scatter [tilespmem:s7], [sflag:$0x2], $0x8000, $0x38;
	[tilespmem:$0x8100] =	vst v63  }
0x16: {  	_ =	swait.ge [sflag:s3], $0x8000  }
0x17: {  	s11 =	sadd.s32 $0xFFFFFFFF, s31;
	[sflag:s3] =	ssyncset.done $0x0  }
.LBB2_1:
0x18: {  	p0 =	sne.s32 s11, $0x1;
	s11 =	sadd.s32 $0xFFFFFFFF, s11;
	[sflag:s3] =	ssyncadd.s32 $0xFFFF8000  }
0x19: {  	[tilespmem:s2], [sflag:$0x2] =	stream.linear.gather [hbm4b:s4+s2], $0x100, $0x38;
	[tilespmem:$0x8100] =	vst v63  }
0x1a: {  	_ =	swait.ge [sflag:s3], $0x100  }
0x1b: {  	[sflag:s3] =	ssyncset.done $0x0  }
0x1c: {  	[sflag:s3] =	ssyncadd.s32 $0xFFFFFF00  }
0x1d: {  	[tilespmem:s7], [sflag:$0x1] =	stream.indirect.gather [hbm4b:s5+s6], $0x80, s2, s6, $0xb8;
	[tilespmem:$0x8100] =	vst v63  }
0x1e: {  	_ = 	snop  }
0x1f: {  	[tilespmem:s8], [sflag:$0x1] =	stream.indirect.gather [hbm4b:s5+s6], $0x80, s6, s6, $0xb8;
	[tilespmem:$0x8100] =	vst v63  }
0x20: {  	_ =	swait.ge [sflag:s9], $0x4000  }
0x21: {  	[sflag:s9] =	ssyncset.done $0x0  }
0x22: {  	[sflag:s9] =	ssyncadd.s32 $0xFFFFC000  }
0x23: {  	_ =	swait.ge [sflag:s9], $0x4000  }
.Ltmp1:
0x24: {  	[sflag:s9] =	ssyncset.done $0x0;
	(pc) =	sbr.rel @p0 .LBB2_1-.Ltmp1, $4  }
0x25: {  	[sflag:s9] =	ssyncadd.s32 $0xFFFFC000  }
0x26: {  	[hbm4b:s10+s2] =	stream.linear.scatter [tilespmem:s7], [sflag:$0x2], $0x8000, $0x38;
	[tilespmem:$0x8100] =	vst v63  }
0x27: {  	_ =	swait.ge [sflag:s3], $0x8000  }
0x28: {  	[sflag:s3] =	ssyncset.done $0x0  }
.LBB2_2:
0x29: {  	[sflag:s3] =	ssyncadd.s32 $0xFFFF8000  }
0x2a: {  	_ =	sfence.sel $0x180000  }
0x2b: {  	[bflag:$0x0] =	sbarrier.arrive $0xFFFF  }
0x2c: {  	p0 =	sne.s32 s0, $0x0;
	_ =	strace $0x9000004A  }
0x2d: {  	s0 =	sadd.s32 @!p0 $0x100000, s1;
	[bflag:$0x2] =	sbarrier.arrive $0xFFFF  }
0x2e: {  	[sflag:s0] =	ssyncadd.tile.s32 @!p0 $0x1;
	_ =	shalt  }
.Lfunc_end2:
_tile_overlayer_lowered:
.L_overlay_start_2:
0x2f: {  	(tag) =	ssettag $0x2  }
0x30: {  	s0 =	rddreg [dreg:$0x0];
	s2 =	stileid.u32  }
0x31: {  	s1 =	rddreg [dreg:$0x1];
	p0 =	sne.s32 s2, $0x0  }
0x32: {  	s3 =	rddreg [dreg:$0x2];
	[bflag:$0x3] =	sbarrier.arrive $0xFFFF;
	s2 =	simm.s32 @!p0 $0x1C02  }
0x33: {  	[timem:s3], [sflag:s2] =	dma.local @!p0 [hbm:s0], s1  }
0x34: {  	s0 =	simm.s32 @!p0 $0x2  }
0x35: {  	_ =	swait.ge @!p0 [sflag:s0], s1  }
0x36: {  	s1 =	ssub.s32 @!p0 $0x0, s1;
	[sflag:s0] =	ssyncset.done @!p0 $0x0  }
0x37: {  	[sflag:s0] =	ssyncadd.s32 @!p0 s1  }
0x38: {  	[bflag:$0x3] =	sbarrier.arrive $0xFFFF  }
0x39: {  	_ =	shalt  }

</sc_bundles>
